<compile_context>
chip_gen: v7x
topology: tpu7x:2x2x1
jax: 0.10.2.dev20260603
libtpu: 0.0.44.dev20260713+nightly
codegen_flags: <defaults>
</compile_context>

<pallas_src>
import functools

import jax
import jax.numpy as jnp
from jax import lax
from jax.experimental import pallas as pl
from jax.experimental.pallas import tpu as pltpu
from jax.experimental.pallas import tpu_sc as plsc

_NC = 2
_NS = 16
_NW = _NC * _NS

_CH = 128
_DEPTH = 3


def _node_proj(x, Wab):
    n, nd = x.shape
    h2 = Wab.shape[1]
    blk = 1000

    def body(x_ref, w_ref, xs_ref, xd_ref):
        xw = jnp.dot(x_ref[...], w_ref[...], preferred_element_type=jnp.float32)
        xs_ref[...] = xw[:, : h2 // 2]
        xd_ref[...] = xw[:, h2 // 2 :]

    return pl.pallas_call(
        body,
        grid=(n // blk,),
        in_specs=[
            pl.BlockSpec((blk, nd), lambda i: (i, 0)),
            pl.BlockSpec((nd, h2), lambda i: (0, 0)),
        ],
        out_specs=[
            pl.BlockSpec((blk, h2 // 2), lambda i: (i, 0)),
            pl.BlockSpec((blk, h2 // 2), lambda i: (i, 0)),
        ],
        out_shape=[
            jax.ShapeDtypeStruct((n, h2 // 2), jnp.float32),
            jax.ShapeDtypeStruct((n, h2 // 2), jnp.float32),
        ],
    )(x, Wab)


def _sc_gather(xs, xd, row, col, zeros_init, ones_src, n):
    e = row.shape[0]
    hid = xs.shape[1]
    ned = zeros_init.shape[1]
    epw = e // _NW
    nfull = epw // _CH
    tail = epw - nfull * _CH
    ngrp = nfull // _DEPTH
    assert nfull % _DEPTH == 0 and ngrp >= 2
    rpt = n // _NS

    mesh = plsc.VectorSubcoreMesh(core_axis_name="c", subcore_axis_name="s")

    @functools.partial(
        pl.kernel,
        mesh=mesh,
        out_type=(
            jax.ShapeDtypeStruct((e, hid), jnp.float32),
            jax.ShapeDtypeStruct((_NC, n, ned), jnp.float32),
        ),
        scratch_types=[
            [pltpu.VMEM((_CH,), jnp.int32) for _ in range(_DEPTH)],
            [pltpu.VMEM((_CH,), jnp.int32) for _ in range(_DEPTH)],
            [pltpu.VMEM((_CH, hid), jnp.float32) for _ in range(_DEPTH)],
            pltpu.VMEM((tail,), jnp.int32),
            pltpu.VMEM((tail,), jnp.int32),
            pltpu.VMEM((tail, hid), jnp.float32),
            pltpu.VMEM((_CH, ned), jnp.float32),
            pltpu.VMEM_SHARED((n, ned), jnp.float32),
            [pltpu.SemaphoreType.DMA for _ in range(_DEPTH)],
            [pltpu.SemaphoreType.DMA for _ in range(_DEPTH)],
            [pltpu.SemaphoreType.DMA for _ in range(_DEPTH)],
            [pltpu.SemaphoreType.DMA for _ in range(_DEPTH)],
        ],
        compiler_params=pltpu.CompilerParams(use_tc_tiling_on_sc=False),
    )
    def k(xs_hbm, xd_hbm, row_hbm, col_hbm, z_hbm, ones_hbm, g_hbm, cnt_out,
          rowi, coli, gbuf, rowt, colt, gtail, ones_v, cnt_sh,
          idx_sem, xs_sem, xd_sem, st_sem):
        c_ax = lax.axis_index("c")
        s_ax = lax.axis_index("s")
        wid = s_ax * _NC + c_ax
        wbase = wid * epw

        pltpu.sync_copy(z_hbm.at[pl.ds(s_ax * rpt, rpt)],
                        cnt_sh.at[pl.ds(s_ax * rpt, rpt)])
        pltpu.sync_copy(ones_hbm, ones_v)
        plsc.subcore_barrier()

        def issue_idx(chunk, c):
            base = wbase + chunk * _CH
            pltpu.async_copy(row_hbm.at[pl.ds(base, _CH)], rowi[c], idx_sem[c])
            pltpu.async_copy(col_hbm.at[pl.ds(base, _CH)], coli[c], idx_sem[c])

        def wait_idx(chunk, c):
            base = wbase + chunk * _CH
            pltpu.make_async_copy(row_hbm.at[pl.ds(base, _CH)], rowi[c],
                                  idx_sem[c]).wait()
            pltpu.make_async_copy(col_hbm.at[pl.ds(base, _CH)], coli[c],
                                  idx_sem[c]).wait()

        for c in range(_DEPTH):
            issue_idx(c, c)
        for c in range(_DEPTH):
            wait_idx(c, c)
            pltpu.async_copy(xs_hbm.at[rowi[c]], gbuf[c], xs_sem[c])

        def group(i2, prep):
            for c in range(_DEPTH):
                pltpu.make_async_copy(xs_hbm.at[rowi[c]], gbuf[c],
                                      xs_sem[c]).wait()
                pltpu.async_copy(xd_hbm.at[coli[c]], gbuf[c], xd_sem[c],
                                 add=True)
            for c in range(_DEPTH):
                chunk = _DEPTH * i2 + c
                base = wbase + chunk * _CH
                pltpu.make_async_copy(xd_hbm.at[coli[c]], gbuf[c],
                                      xd_sem[c]).wait()
                pltpu.async_copy(gbuf[c], g_hbm.at[pl.ds(base, _CH)],
                                 st_sem[c])
                pltpu.sync_copy(ones_v, cnt_sh.at[coli[c]], add=True)
            if prep:
                for c in range(_DEPTH):
                    chunk = _DEPTH * i2 + c
                    base = wbase + chunk * _CH
                    issue_idx(chunk + _DEPTH, c)
                    pltpu.make_async_copy(gbuf[c], g_hbm.at[pl.ds(base, _CH)],
                                          st_sem[c]).wait()
                for c in range(_DEPTH):
                    chunk = _DEPTH * i2 + c
                    wait_idx(chunk + _DEPTH, c)
                    pltpu.async_copy(xs_hbm.at[rowi[c]], gbuf[c], xs_sem[c])

        def body(i2, carry):
            group(i2, prep=True)
            return carry

        lax.fori_loop(0, ngrp - 1, body, 0)
        group(ngrp - 1, prep=False)

        if tail:
            tbase = wbase + nfull * _CH
            pltpu.sync_copy(row_hbm.at[pl.ds(tbase, tail)], rowt)
            pltpu.sync_copy(col_hbm.at[pl.ds(tbase, tail)], colt)
            pltpu.sync_copy(xs_hbm.at[rowt], gtail)
            pltpu.sync_copy(xd_hbm.at[colt], gtail, add=True)
            pltpu.sync_copy(gtail, g_hbm.at[pl.ds(tbase, tail)])
            pltpu.sync_copy(ones_v.at[pl.ds(0, tail)], cnt_sh.at[colt],
                            add=True)

        for c in range(_DEPTH):
            chunk = _DEPTH * (ngrp - 1) + c
            base = wbase + chunk * _CH
            pltpu.make_async_copy(gbuf[c], g_hbm.at[pl.ds(base, _CH)],
                                  st_sem[c]).wait()

        plsc.subcore_barrier()
        pltpu.sync_copy(cnt_sh.at[pl.ds(s_ax * rpt, rpt)],
                        cnt_out.at[c_ax, pl.ds(s_ax * rpt, rpt)])

    return k(xs, xd, row, col, zeros_init, ones_src)


def _edge_mlp(g2, ea2, W1c2, b12, W22, b22, gmean, ge2, be2ln):
    e2rows, lanes = g2.shape
    eb = 1600

    def body(g_ref, ea_ref, w1_ref, b1_ref, w2_ref, b2_ref, gm_ref, ge_ref,
             be_ref, e2_ref, ln_ref):
        eav = ea_ref[...]
        h1 = g_ref[...] + jnp.dot(eav, w1_ref[...],
                                  preferred_element_type=jnp.float32) + b1_ref[...]
        h = jnp.dot(jnp.maximum(h1, 0.0), w2_ref[...],
                    preferred_element_type=jnp.float32) + b2_ref[...] + eav
        e2_ref[...] = h
        m = jnp.dot(h, gm_ref[...], preferred_element_type=jnp.float32)
        sq = jnp.dot(h * h, gm_ref[...], preferred_element_type=jnp.float32)
        v = sq - m * m
        ln_ref[...] = (h - m) * lax.rsqrt(v + 1e-5) * ge_ref[...] + be_ref[...]

    return pl.pallas_call(
        body,
        grid=(e2rows // eb,),
        in_specs=[
            pl.BlockSpec((eb, lanes), lambda i: (i, 0)),
            pl.BlockSpec((eb, 32), lambda i: (i, 0)),
            pl.BlockSpec((32, lanes), lambda i: (0, 0)),
            pl.BlockSpec((1, lanes), lambda i: (0, 0)),
            pl.BlockSpec((lanes, 32), lambda i: (0, 0)),
            pl.BlockSpec((1, 32), lambda i: (0, 0)),
            pl.BlockSpec((32, 32), lambda i: (0, 0)),
            pl.BlockSpec((1, 32), lambda i: (0, 0)),
            pl.BlockSpec((1, 32), lambda i: (0, 0)),
        ],
        out_specs=[
            pl.BlockSpec((eb, 32), lambda i: (i, 0)),
            pl.BlockSpec((eb, 32), lambda i: (i, 0)),
        ],
        out_shape=[
            jax.ShapeDtypeStruct((e2rows, 32), jnp.float32),
            jax.ShapeDtypeStruct((e2rows, 32), jnp.float32),
        ],
    )(g2, ea2, W1c2, b12, W22, b22, gmean, ge2, be2ln)


def _sc_scatter(e2, col, zeros_init, n):
    e, ed = e2.shape
    epw = e // _NW
    nfull = epw // _CH
    tail = epw - nfull * _CH
    ngrp = nfull // _DEPTH
    assert nfull % _DEPTH == 0 and ngrp >= 2
    rpt = n // _NS

    mesh = plsc.VectorSubcoreMesh(core_axis_name="c", subcore_axis_name="s")

    @functools.partial(
        pl.kernel,
        mesh=mesh,
        out_type=jax.ShapeDtypeStruct((_NC, n, ed), jnp.float32),
        scratch_types=[
            [pltpu.VMEM((_CH,), jnp.int32) for _ in range(_DEPTH)],
            [pltpu.VMEM((_CH, ed), jnp.float32) for _ in range(_DEPTH)],
            pltpu.VMEM((tail,), jnp.int32),
            pltpu.VMEM((tail, ed), jnp.float32),
            pltpu.VMEM_SHARED((n, ed), jnp.float32),
            [pltpu.SemaphoreType.DMA for _ in range(_DEPTH)],
        ],
        compiler_params=pltpu.CompilerParams(use_tc_tiling_on_sc=False),
    )
    def k(e2_hbm, col_hbm, z_hbm, seg_out,
          coli, ebuf, colt, etail, seg_sh, ld_sem):
        c_ax = lax.axis_index("c")
        s_ax = lax.axis_index("s")
        wid = s_ax * _NC + c_ax
        wbase = wid * epw

        pltpu.sync_copy(z_hbm.at[pl.ds(s_ax * rpt, rpt)],
                        seg_sh.at[pl.ds(s_ax * rpt, rpt)])
        plsc.subcore_barrier()

        def issue(chunk, c):
            base = wbase + chunk * _CH
            pltpu.async_copy(col_hbm.at[pl.ds(base, _CH)], coli[c], ld_sem[c])
            pltpu.async_copy(e2_hbm.at[pl.ds(base, _CH)], ebuf[c], ld_sem[c])

        def wait_ld(chunk, c):
            base = wbase + chunk * _CH
            pltpu.make_async_copy(col_hbm.at[pl.ds(base, _CH)], coli[c],
                                  ld_sem[c]).wait()
            pltpu.make_async_copy(e2_hbm.at[pl.ds(base, _CH)], ebuf[c],
                                  ld_sem[c]).wait()

        for c in range(_DEPTH):
            issue(c, c)

        def group(i2, prep):
            for c in range(_DEPTH):
                chunk = _DEPTH * i2 + c
                wait_ld(chunk, c)
                pltpu.sync_copy(ebuf[c], seg_sh.at[coli[c]], add=True)
                if prep:
                    issue(chunk + _DEPTH, c)

        def body(i2, carry):
            group(i2, prep=True)
            return carry

        lax.fori_loop(0, ngrp - 1, body, 0)
        group(ngrp - 1, prep=False)

        if tail:
            tbase = wbase + nfull * _CH
            pltpu.sync_copy(col_hbm.at[pl.ds(tbase, tail)], colt)
            pltpu.sync_copy(e2_hbm.at[pl.ds(tbase, tail)], etail)
            pltpu.sync_copy(etail, seg_sh.at[colt], add=True)

        plsc.subcore_barrier()
        pltpu.sync_copy(seg_sh.at[pl.ds(s_ax * rpt, rpt)],
                        seg_out.at[c_ax, pl.ds(s_ax * rpt, rpt)])

    return k(e2, col, zeros_init)


def _node_mlp(x, segp, cntp, W1a, W1b, b1, W2, b2, gxa, bxa):
    n, nd = x.shape
    ed = segp.shape[2]
    blk = 2000

    def body(x_ref, seg_ref, cnt_ref, w1a_ref, w1b_ref, b1_ref, w2_ref, b2_ref,
             gx_ref, bx_ref, out_ref):
        xv = x_ref[...]
        seg = seg_ref[0] + seg_ref[1]
        cnt = cnt_ref[0, :, 0:1] + cnt_ref[1, :, 0:1]
        agg = seg / jnp.maximum(cnt, 1.0)
        h1 = (jnp.dot(xv, w1a_ref[...], preferred_element_type=jnp.float32)
              + jnp.dot(agg, w1b_ref[...], preferred_element_type=jnp.float32)
              + b1_ref[...])
        hn = jnp.dot(jnp.maximum(h1, 0.0), w2_ref[...],
                     preferred_element_type=jnp.float32) + b2_ref[...]
        x2 = xv + hn
        m = jnp.mean(x2, axis=-1, keepdims=True)
        v = jnp.mean((x2 - m) ** 2, axis=-1, keepdims=True)
        out_ref[...] = (x2 - m) * lax.rsqrt(v + 1e-5) * gx_ref[...] + bx_ref[...]

    hid = W1a.shape[1]
    return pl.pallas_call(
        body,
        grid=(n // blk,),
        in_specs=[
            pl.BlockSpec((blk, nd), lambda i: (i, 0)),
            pl.BlockSpec((_NC, blk, ed), lambda i: (0, i, 0)),
            pl.BlockSpec((_NC, blk, ed), lambda i: (0, i, 0)),
            pl.BlockSpec((nd, hid), lambda i: (0, 0)),
            pl.BlockSpec((ed, hid), lambda i: (0, 0)),
            pl.BlockSpec((1, hid), lambda i: (0, 0)),
            pl.BlockSpec((hid, nd), lambda i: (0, 0)),
            pl.BlockSpec((1, nd), lambda i: (0, 0)),
            pl.BlockSpec((1, nd), lambda i: (0, 0)),
            pl.BlockSpec((1, nd), lambda i: (0, 0)),
        ],
        out_specs=pl.BlockSpec((blk, nd), lambda i: (i, 0)),
        out_shape=jax.ShapeDtypeStruct((n, nd), jnp.float32),
    )(x, segp, cntp, W1a, W1b, b1, W2, b2, gxa, bxa)


def kernel(x, edge_index, edge_attr, batch, We1, be1, We2, be2,
           Wn1, bn1, Wn2, bn2, gx, bx, ge, bee):
    n, nd = x.shape
    e, ed = edge_attr.shape
    row = edge_index[0]
    col = edge_index[1]

    Wab = jnp.concatenate([We1[:nd], We1[nd:2 * nd]], axis=1)
    W1c = We1[2 * nd:]
    hid = W1c.shape[1]

    zeros_init = jnp.zeros((n, ed), jnp.float32)
    ones_src = jnp.ones((_CH, ed), jnp.float32)

    xs, xd = _node_proj(x, Wab)
    g, cntp = _sc_gather(xs, xd, row, col, zeros_init, ones_src, n)

    eye2 = jnp.eye(2, dtype=jnp.float32)
    W1c2 = jnp.kron(eye2, W1c)
    W22 = jnp.kron(eye2, We2)
    gmean = jnp.kron(eye2, jnp.full((ed, ed), 1.0 / ed, jnp.float32))
    b12 = jnp.tile(be1, 2).reshape(1, -1)
    b22 = jnp.tile(be2, 2).reshape(1, -1)
    ge2 = jnp.tile(ge, 2).reshape(1, -1)
    be2ln = jnp.tile(bee, 2).reshape(1, -1)

    e2p, lnp = _edge_mlp(
        g.reshape(e // 2, 2 * hid), edge_attr.reshape(e // 2, 2 * ed),
        W1c2, b12, W22, b22, gmean, ge2, be2ln)
    e2 = e2p.reshape(e, ed)
    ln_e2 = lnp.reshape(e, ed)

    segp = _sc_scatter(e2, col, zeros_init, n)

    ln_x2 = _node_mlp(
        x, segp, cntp, Wn1[:nd], Wn1[nd:], bn1.reshape(1, -1),
        Wn2, bn2.reshape(1, -1), gx.reshape(1, -1), bx.reshape(1, -1))
    return (ln_x2, ln_e2)

# --- scband reference (transcript-rebuilt; emitter-appended) ---
"""Pipeline reference for scband-engnnblock-60069412602312 (READ-ONLY COPY).

The authoritative reference and input builder live on the scoring server;
editing this copy changes nothing except your own understanding.
"""

import jax, jax.numpy as jnp
import numpy as np

N = 10000
E = 320000
ND = 128
ED = 16
HID = 64


def _init_linear(key, fan_in, fan_out):
    k1, k2 = jax.random.split(key)
    lim = 1.0 / np.sqrt(fan_in)
    W = jax.random.uniform(k1, (fan_in, fan_out), jnp.float32, -lim, lim)
    b = jax.random.uniform(k2, (fan_out,), jnp.float32, -lim, lim)
    return W, b


def setup_inputs(seed: int = 0) -> dict:
    key = jax.random.key(seed)
    ks = jax.random.split(key, 8)
    x = jax.random.normal(ks[0], (N, ND), dtype=jnp.float32)
    edge_index = jax.random.randint(ks[1], (2, E), 0, N, dtype=jnp.int32)
    edge_attr = jax.random.normal(ks[2], (E, ED), dtype=jnp.float32)
    batch = jnp.zeros((N,), dtype=jnp.int32)
    We1, be1 = _init_linear(ks[3], 2 * ND + ED, HID)
    We2, be2 = _init_linear(ks[4], HID, ED)
    Wn1, bn1 = _init_linear(ks[5], ND + ED, HID)
    Wn2, bn2 = _init_linear(ks[6], HID, ND)
    gx = jnp.ones((ND,), jnp.float32)
    bx = jnp.zeros((ND,), jnp.float32)
    ge = jnp.ones((ED,), jnp.float32)
    bee = jnp.zeros((ED,), jnp.float32)
    return {"x": x, "edge_index": edge_index, "edge_attr": edge_attr, "batch": batch,
            "We1": We1, "be1": be1, "We2": We2, "be2": be2,
            "Wn1": Wn1, "bn1": bn1, "Wn2": Wn2, "bn2": bn2,
            "gx": gx, "bx": bx, "ge": ge, "bee": bee}


def _layer_norm(v, g, b):
    m = jnp.mean(v, axis=-1, keepdims=True)
    var = jnp.mean((v - m) ** 2, axis=-1, keepdims=True)
    return (v - m) / jnp.sqrt(var + 1e-5) * g + b


def reference(x, edge_index, edge_attr, batch, We1, be1, We2, be2, Wn1, bn1, Wn2, bn2, gx, bx, ge, bee):
    row, col = edge_index[0], edge_index[1]
    # Edge model: e2 = edge_attr + MLP(cat(src, dst, edge_attr))
    src = x[row]
    dst = x[col]
    h = jnp.concatenate([src, dst, edge_attr], axis=-1)
    h = jax.nn.relu(h @ We1 + be1) @ We2 + be2
    e2 = edge_attr + h
    # Node model: scatter-mean of updated edge_attr into dst nodes
    seg = jax.ops.segment_sum(e2, col, num_segments=N)
    cnt = jax.ops.segment_sum(jnp.ones((E,), jnp.float32), col, num_segments=N)
    agg = seg / jnp.clip(cnt, 1.0)[:, None]
    hn = jnp.concatenate([x, agg], axis=-1)
    hn = jax.nn.relu(hn @ Wn1 + bn1) @ Wn2 + bn2
    x2 = x + hn
    return (_layer_norm(x2, gx, bx), _layer_norm(e2, ge, bee))

if __name__ == "__main__":
    import jax
    _d = setup_inputs()
    print(jax.jit(kernel)(*tuple(_d.values())))

</pallas_src>

<mosaic_0001>
#map = affine_map<(d0, d1) -> (0, 0)>
#map1 = affine_map<(d0, d1) -> (0)>
#map2 = affine_map<(d0, d1) -> (0, 0, 0)>
module attributes {stable_mosaic.version = 14 : i64} {
  func.func @k(%arg0: i32, %arg1: i32, %arg2: memref<320000x16xf32, #tpu.memory_space<hbm>>, %arg3: memref<320000xi32, #tpu.memory_space<hbm>>, %arg4: memref<10000x16xf32, #tpu.memory_space<hbm>>, %arg5: memref<2x10000x16xf32, #tpu.memory_space<hbm>>, %arg6: memref<128xi32, #tpu.memory_space<vmem>>, %arg7: memref<128xi32, #tpu.memory_space<vmem>>, %arg8: memref<128xi32, #tpu.memory_space<vmem>>, %arg9: memref<128x16xf32, #tpu.memory_space<vmem>>, %arg10: memref<128x16xf32, #tpu.memory_space<vmem>>, %arg11: memref<128x16xf32, #tpu.memory_space<vmem>>, %arg12: memref<16xi32, #tpu.memory_space<vmem>>, %arg13: memref<16x16xf32, #tpu.memory_space<vmem>>, %arg14: memref<10000x16xf32, #tpu.memory_space<vmem_shared>>, %arg15: memref<!tpu.dma_semaphore, #tpu.memory_space<semaphore_mem>>, %arg16: memref<!tpu.dma_semaphore, #tpu.memory_space<semaphore_mem>>, %arg17: memref<!tpu.dma_semaphore, #tpu.memory_space<semaphore_mem>>) attributes {dimension_semantics = [#tpu.dimension_semantics<core_parallel>, #tpu.dimension_semantics<subcore_parallel>], iteration_bounds = array<i64: 2, 16>, scalar_prefetch = 0 : i64, scratch_operands = 12 : i64, tpu.core_type = #tpu.core_type<sc_vector_subcore>, window_params = [{transform_indices = #map}, {transform_indices = #map1}, {transform_indices = #map}, {transform_indices = #map2}]} {
    %mul3A = arith.constant 2 : i32
    %mul3A_0 = arith.muli %arg1, %mul3A : i32
    %add3A = arith.addi %mul3A_0, %arg0 : i32
    %mul3A_1 = arith.constant 10000 : i32
    %mul3A_2 = arith.muli %add3A, %mul3A_1 : i32
    %mul3A_3 = arith.constant 625 : i32
    %mul3A_4 = arith.muli %arg1, %mul3A_3 : i32
    %mul3A_5 = arith.constant 625 : i32
    %mul3A_6 = arith.muli %arg1, %mul3A_5 : i32
    "tpu.region"() ({
      %run_scoped3A = tpu.sem_alloc : memref<!tpu.dma_semaphore, #tpu.memory_space<semaphore_mem>>
      %dma_start3A_65 = arith.constant 0 : i32
      %dma_start3A_66 = tpu.memref_slice %arg14[%mul3A_6, %dma_start3A_65] : memref<10000x16xf32, #tpu.memory_space<vmem_shared>> -> memref<625x16xf32, #tpu.memory_space<vmem_shared>>
      %dma_start3A_67 = arith.constant 0 : i32
      %dma_start3A_68 = tpu.memref_slice %arg4[%mul3A_4, %dma_start3A_67] : memref<10000x16xf32, #tpu.memory_space<hbm>> -> memref<625x16xf32, #tpu.memory_space<hbm>>
      tpu.enqueue_dma source(%dma_start3A_68 : memref<625x16xf32, #tpu.memory_space<hbm>>) target(%dma_start3A_66 : memref<625x16xf32, #tpu.memory_space<vmem_shared>>) target_semaphore(%run_scoped3A : memref<!tpu.dma_semaphore, #tpu.memory_space<semaphore_mem>>)
      %dma_wait3A_69 = arith.constant 0 : i32
      %dma_wait3A_70 = tpu.memref_slice %arg14[%mul3A_6, %dma_wait3A_69] : memref<10000x16xf32, #tpu.memory_space<vmem_shared>> -> memref<625x16xf32, #tpu.memory_space<vmem_shared>>
      %dma_wait3A_71 = arith.constant 0 : i32
      %dma_wait3A_72 = tpu.memref_slice %arg4[%mul3A_4, %dma_wait3A_71] : memref<10000x16xf32, #tpu.memory_space<hbm>> -> memref<625x16xf32, #tpu.memory_space<hbm>>
      tpu.wait_dma2 semaphore(%run_scoped3A : memref<!tpu.dma_semaphore, #tpu.memory_space<semaphore_mem>>) src(%dma_wait3A_72 : memref<625x16xf32, #tpu.memory_space<hbm>>) dst(%dma_wait3A_70 : memref<625x16xf32, #tpu.memory_space<vmem_shared>>)
      tpu.yield
    }) : () -> ()
    %barrier3A = arith.constant 0 : index
    tpu.barrier barrier_id(%barrier3A)
    %add3A_7 = arith.constant 0 : i32
    %add3A_8 = arith.addi %mul3A_2, %add3A_7 : i32
    %dma_start3A = tpu.memref_slice %arg3[%add3A_8] : memref<320000xi32, #tpu.memory_space<hbm>> -> memref<128xi32, #tpu.memory_space<hbm>>
    %dma_start3A_9 = tpu.memref_slice %arg3[%add3A_8] : memref<320000xi32, #tpu.memory_space<hbm>> -> memref<128xi32, #tpu.memory_space<hbm>>
    tpu.enqueue_dma source(%dma_start3A_9 : memref<128xi32, #tpu.memory_space<hbm>>) target(%arg6 : memref<128xi32, #tpu.memory_space<vmem>>) target_semaphore(%arg15 : memref<!tpu.dma_semaphore, #tpu.memory_space<semaphore_mem>>)
    %dma_start3A_10 = arith.constant 0 : i32
    %dma_start3A_11 = tpu.memref_slice %arg2[%add3A_8, %dma_start3A_10] : memref<320000x16xf32, #tpu.memory_space<hbm>> -> memref<128x16xf32, #tpu.memory_space<hbm>>
    %dma_start3A_12 = arith.constant 0 : i32
    %dma_start3A_13 = tpu.memref_slice %arg2[%add3A_8, %dma_start3A_12] : memref<320000x16xf32, #tpu.memory_space<hbm>> -> memref<128x16xf32, #tpu.memory_space<hbm>>
    tpu.enqueue_dma source(%dma_start3A_13 : memref<128x16xf32, #tpu.memory_space<hbm>>) target(%arg9 : memref<128x16xf32, #tpu.memory_space<vmem>>) target_semaphore(%arg15 : memref<!tpu.dma_semaphore, #tpu.memory_space<semaphore_mem>>)
    %add3A_14 = arith.constant 128 : i32
    %add3A_15 = arith.addi %mul3A_2, %add3A_14 : i32
    %dma_start3A_16 = tpu.memref_slice %arg3[%add3A_15] : memref<320000xi32, #tpu.memory_space<hbm>> -> memref<128xi32, #tpu.memory_space<hbm>>
    %dma_start3A_17 = tpu.memref_slice %arg3[%add3A_15] : memref<320000xi32, #tpu.memory_space<hbm>> -> memref<128xi32, #tpu.memory_space<hbm>>
    tpu.enqueue_dma source(%dma_start3A_17 : memref<128xi32, #tpu.memory_space<hbm>>) target(%arg7 : memref<128xi32, #tpu.memory_space<vmem>>) target_semaphore(%arg16 : memref<!tpu.dma_semaphore, #tpu.memory_space<semaphore_mem>>)
    %dma_start3A_18 = arith.constant 0 : i32
    %dma_start3A_19 = tpu.memref_slice %arg2[%add3A_15, %dma_start3A_18] : memref<320000x16xf32, #tpu.memory_space<hbm>> -> memref<128x16xf32, #tpu.memory_space<hbm>>
    %dma_start3A_20 = arith.constant 0 : i32
    %dma_start3A_21 = tpu.memref_slice %arg2[%add3A_15, %dma_start3A_20] : memref<320000x16xf32, #tpu.memory_space<hbm>> -> memref<128x16xf32, #tpu.memory_space<hbm>>
    tpu.enqueue_dma source(%dma_start3A_21 : memref<128x16xf32, #tpu.memory_space<hbm>>) target(%arg10 : memref<128x16xf32, #tpu.memory_space<vmem>>) target_semaphore(%arg16 : memref<!tpu.dma_semaphore, #tpu.memory_space<semaphore_mem>>)
    %add3A_22 = arith.constant 256 : i32
    %add3A_23 = arith.addi %mul3A_2, %add3A_22 : i32
    %dma_start3A_24 = tpu.memref_slice %arg3[%add3A_23] : memref<320000xi32, #tpu.memory_space<hbm>> -> memref<128xi32, #tpu.memory_space<hbm>>
    %dma_start3A_25 = tpu.memref_slice %arg3[%add3A_23] : memref<320000xi32, #tpu.memory_space<hbm>> -> memref<128xi32, #tpu.memory_space<hbm>>
    tpu.enqueue_dma source(%dma_start3A_25 : memref<128xi32, #tpu.memory_space<hbm>>) target(%arg8 : memref<128xi32, #tpu.memory_space<vmem>>) target_semaphore(%arg17 : memref<!tpu.dma_semaphore, #tpu.memory_space<semaphore_mem>>)
    %dma_start3A_26 = arith.constant 0 : i32
    %dma_start3A_27 = tpu.memref_slice %arg2[%add3A_23, %dma_start3A_26] : memref<320000x16xf32, #tpu.memory_space<hbm>> -> memref<128x16xf32, #tpu.memory_space<hbm>>
    %dma_start3A_28 = arith.constant 0 : i32
    %dma_start3A_29 = tpu.memref_slice %arg2[%add3A_23, %dma_start3A_28] : memref<320000x16xf32, #tpu.memory_space<hbm>> -> memref<128x16xf32, #tpu.memory_space<hbm>>
    tpu.enqueue_dma source(%dma_start3A_29 : memref<128x16xf32, #tpu.memory_space<hbm>>) target(%arg11 : memref<128x16xf32, #tpu.memory_space<vmem>>) target_semaphore(%arg17 : memref<!tpu.dma_semaphore, #tpu.memory_space<semaphore_mem>>)
    %scan3A = arith.constant 0 : i32
    %scan3A_30 = arith.constant 0 : i32
    %scan3A_31 = arith.constant 25 : i32
    %scan3A_32 = arith.addi %scan3A_30, %scan3A_31 : i32
    %scan3A_33 = arith.constant 1 : i32
    scf.for %scan3A_65 = %scan3A_30 to %scan3A_32 step %scan3A_33  : i32 {
      %mul3A_66 = arith.constant 3 : i32
      %mul3A_67 = arith.muli %mul3A_66, %scan3A_65 : i32
      %add3A_68 = arith.constant 0 : i32
      %add3A_69 = arith.addi %mul3A_67, %add3A_68 : i32
      %mul3A_70 = arith.constant 128 : i32
      %mul3A_71 = arith.muli %add3A_69, %mul3A_70 : i32
      %add3A_72 = arith.addi %mul3A_2, %mul3A_71 : i32
      %dma_wait3A_73 = tpu.memref_slice %arg3[%add3A_72] : memref<320000xi32, #tpu.memory_space<hbm>> -> memref<128xi32, #tpu.memory_space<hbm>>
      %dma_wait3A_74 = tpu.memref_slice %arg3[%add3A_72] : memref<320000xi32, #tpu.memory_space<hbm>> -> memref<128xi32, #tpu.memory_space<hbm>>
      tpu.wait_dma2 semaphore(%arg15 : memref<!tpu.dma_semaphore, #tpu.memory_space<semaphore_mem>>) src(%dma_wait3A_74 : memref<128xi32, #tpu.memory_space<hbm>>) dst(%arg6 : memref<128xi32, #tpu.memory_space<vmem>>)
      %dma_wait3A_75 = arith.constant 0 : i32
      %dma_wait3A_76 = tpu.memref_slice %arg2[%add3A_72, %dma_wait3A_75] : memref<320000x16xf32, #tpu.memory_space<hbm>> -> memref<128x16xf32, #tpu.memory_space<hbm>>
      %dma_wait3A_77 = arith.constant 0 : i32
      %dma_wait3A_78 = tpu.memref_slice %arg2[%add3A_72, %dma_wait3A_77] : memref<320000x16xf32, #tpu.memory_space<hbm>> -> memref<128x16xf32, #tpu.memory_space<hbm>>
      tpu.wait_dma2 semaphore(%arg15 : memref<!tpu.dma_semaphore, #tpu.memory_space<semaphore_mem>>) src(%dma_wait3A_78 : memref<128x16xf32, #tpu.memory_space<hbm>>) dst(%arg9 : memref<128x16xf32, #tpu.memory_space<vmem>>)
      "tpu.region"() ({
        %run_scoped3A = tpu.sem_alloc : memref<!tpu.dma_semaphore, #tpu.memory_space<semaphore_mem>>
        %dma_start3A_138 = arith.constant 0 : i32
        %dma_start3A_139 = arith.constant 0 : i32
        %dma_start3A_140 = tpu.memref_slice %arg14[%dma_start3A_138, %dma_start3A_139] : memref<10000x16xf32, #tpu.memory_space<vmem_shared>> -> memref<10000x16xf32, #tpu.memory_space<vmem_shared>>
        tpu.enqueue_indirect_dma source(%arg9 : memref<128x16xf32, #tpu.memory_space<vmem>>) target(%dma_start3A_140 : memref<10000x16xf32, #tpu.memory_space<vmem_shared>>) offsets(%arg6 : memref<128xi32, #tpu.memory_space<vmem>>) semaphore(%run_scoped3A : memref<!tpu.dma_semaphore, #tpu.memory_space<semaphore_mem>>) {add = true}
        %dma_wait3A_141 = arith.constant 0 : i32
        %dma_wait3A_142 = arith.constant 0 : i32
        %dma_wait3A_143 = tpu.memref_slice %arg14[%dma_wait3A_141, %dma_wait3A_142] : memref<10000x16xf32, #tpu.memory_space<vmem_shared>> -> memref<10000x16xf32, #tpu.memory_space<vmem_shared>>
        tpu.wait_indirect_dma semaphore(%run_scoped3A : memref<!tpu.dma_semaphore, #tpu.memory_space<semaphore_mem>>) src(%arg9 : memref<128x16xf32, #tpu.memory_space<vmem>>) dst(%dma_wait3A_143 : memref<10000x16xf32, #tpu.memory_space<vmem_shared>>)
        tpu.yield
      }) : () -> ()
      %add3A_79 = arith.constant 3 : i32
      %add3A_80 = arith.addi %add3A_69, %add3A_79 : i32
      %mul3A_81 = arith.constant 128 : i32
      %mul3A_82 = arith.muli %add3A_80, %mul3A_81 : i32
      %add3A_83 = arith.addi %mul3A_2, %mul3A_82 : i32
      %dma_start3A_84 = tpu.memref_slice %arg3[%add3A_83] : memref<320000xi32, #tpu.memory_space<hbm>> -> memref<128xi32, #tpu.memory_space<hbm>>
      %dma_start3A_85 = tpu.memref_slice %arg3[%add3A_83] : memref<320000xi32, #tpu.memory_space<hbm>> -> memref<128xi32, #tpu.memory_space<hbm>>
      tpu.enqueue_dma source(%dma_start3A_85 : memref<128xi32, #tpu.memory_space<hbm>>) target(%arg6 : memref<128xi32, #tpu.memory_space<vmem>>) target_semaphore(%arg15 : memref<!tpu.dma_semaphore, #tpu.memory_space<semaphore_mem>>)
      %dma_start3A_86 = arith.constant 0 : i32
      %dma_start3A_87 = tpu.memref_slice %arg2[%add3A_83, %dma_start3A_86] : memref<320000x16xf32, #tpu.memory_space<hbm>> -> memref<128x16xf32, #tpu.memory_space<hbm>>
      %dma_start3A_88 = arith.constant 0 : i32
      %dma_start3A_89 = tpu.memref_slice %arg2[%add3A_83, %dma_start3A_88] : memref<320000x16xf32, #tpu.memory_space<hbm>> -> memref<128x16xf32, #tpu.memory_space<hbm>>
      tpu.enqueue_dma source(%dma_start3A_89 : memref<128x16xf32, #tpu.memory_space<hbm>>) target(%arg9 : memref<128x16xf32, #tpu.memory_space<vmem>>) target_semaphore(%arg15 : memref<!tpu.dma_semaphore, #tpu.memory_space<semaphore_mem>>)
      %mul3A_90 = arith.constant 3 : i32
      %mul3A_91 = arith.muli %mul3A_90, %scan3A_65 : i32
      %add3A_92 = arith.constant 1 : i32
      %add3A_93 = arith.addi %mul3A_91, %add3A_92 : i32
      %mul3A_94 = arith.constant 128 : i32
      %mul3A_95 = arith.muli %add3A_93, %mul3A_94 : i32
      %add3A_96 = arith.addi %mul3A_2, %mul3A_95 : i32
      %dma_wait3A_97 = tpu.memref_slice %arg3[%add3A_96] : memref<320000xi32, #tpu.memory_space<hbm>> -> memref<128xi32, #tpu.memory_space<hbm>>
      %dma_wait3A_98 = tpu.memref_slice %arg3[%add3A_96] : memref<320000xi32, #tpu.memory_space<hbm>> -> memref<128xi32, #tpu.memory_space<hbm>>
      tpu.wait_dma2 semaphore(%arg16 : memref<!tpu.dma_semaphore, #tpu.memory_space<semaphore_mem>>) src(%dma_wait3A_98 : memref<128xi32, #tpu.memory_space<hbm>>) dst(%arg7 : memref<128xi32, #tpu.memory_space<vmem>>)
      %dma_wait3A_99 = arith.constant 0 : i32
      %dma_wait3A_100 = tpu.memref_slice %arg2[%add3A_96, %dma_wait3A_99] : memref<320000x16xf32, #tpu.memory_space<hbm>> -> memref<128x16xf32, #tpu.memory_space<hbm>>
      %dma_wait3A_101 = arith.constant 0 : i32
      %dma_wait3A_102 = tpu.memref_slice %arg2[%add3A_96, %dma_wait3A_101] : memref<320000x16xf32, #tpu.memory_space<hbm>> -> memref<128x16xf32, #tpu.memory_space<hbm>>
      tpu.wait_dma2 semaphore(%arg16 : memref<!tpu.dma_semaphore, #tpu.memory_space<semaphore_mem>>) src(%dma_wait3A_102 : memref<128x16xf32, #tpu.memory_space<hbm>>) dst(%arg10 : memref<128x16xf32, #tpu.memory_space<vmem>>)
      "tpu.region"() ({
        %run_scoped3A = tpu.sem_alloc : memref<!tpu.dma_semaphore, #tpu.memory_space<semaphore_mem>>
        %dma_start3A_138 = arith.constant 0 : i32
        %dma_start3A_139 = arith.constant 0 : i32
        %dma_start3A_140 = tpu.memref_slice %arg14[%dma_start3A_138, %dma_start3A_139] : memref<10000x16xf32, #tpu.memory_space<vmem_shared>> -> memref<10000x16xf32, #tpu.memory_space<vmem_shared>>
        tpu.enqueue_indirect_dma source(%arg10 : memref<128x16xf32, #tpu.memory_space<vmem>>) target(%dma_start3A_140 : memref<10000x16xf32, #tpu.memory_space<vmem_shared>>) offsets(%arg7 : memref<128xi32, #tpu.memory_space<vmem>>) semaphore(%run_scoped3A : memref<!tpu.dma_semaphore, #tpu.memory_space<semaphore_mem>>) {add = true}
        %dma_wait3A_141 = arith.constant 0 : i32
        %dma_wait3A_142 = arith.constant 0 : i32
        %dma_wait3A_143 = tpu.memref_slice %arg14[%dma_wait3A_141, %dma_wait3A_142] : memref<10000x16xf32, #tpu.memory_space<vmem_shared>> -> memref<10000x16xf32, #tpu.memory_space<vmem_shared>>
        tpu.wait_indirect_dma semaphore(%run_scoped3A : memref<!tpu.dma_semaphore, #tpu.memory_space<semaphore_mem>>) src(%arg10 : memref<128x16xf32, #tpu.memory_space<vmem>>) dst(%dma_wait3A_143 : memref<10000x16xf32, #tpu.memory_space<vmem_shared>>)
        tpu.yield
      }) : () -> ()
      %add3A_103 = arith.constant 3 : i32
      %add3A_104 = arith.addi %add3A_93, %add3A_103 : i32
      %mul3A_105 = arith.constant 128 : i32
      %mul3A_106 = arith.muli %add3A_104, %mul3A_105 : i32
      %add3A_107 = arith.addi %mul3A_2, %mul3A_106 : i32
      %dma_start3A_108 = tpu.memref_slice %arg3[%add3A_107] : memref<320000xi32, #tpu.memory_space<hbm>> -> memref<128xi32, #tpu.memory_space<hbm>>
      %dma_start3A_109 = tpu.memref_slice %arg3[%add3A_107] : memref<320000xi32, #tpu.memory_space<hbm>> -> memref<128xi32, #tpu.memory_space<hbm>>
      tpu.enqueue_dma source(%dma_start3A_109 : memref<128xi32, #tpu.memory_space<hbm>>) target(%arg7 : memref<128xi32, #tpu.memory_space<vmem>>) target_semaphore(%arg16 : memref<!tpu.dma_semaphore, #tpu.memory_space<semaphore_mem>>)
      %dma_start3A_110 = arith.constant 0 : i32
      %dma_start3A_111 = tpu.memref_slice %arg2[%add3A_107, %dma_start3A_110] : memref<320000x16xf32, #tpu.memory_space<hbm>> -> memref<128x16xf32, #tpu.memory_space<hbm>>
      %dma_start3A_112 = arith.constant 0 : i32
      %dma_start3A_113 = tpu.memref_slice %arg2[%add3A_107, %dma_start3A_112] : memref<320000x16xf32, #tpu.memory_space<hbm>> -> memref<128x16xf32, #tpu.memory_space<hbm>>
      tpu.enqueue_dma source(%dma_start3A_113 : memref<128x16xf32, #tpu.memory_space<hbm>>) target(%arg10 : memref<128x16xf32, #tpu.memory_space<vmem>>) target_semaphore(%arg16 : memref<!tpu.dma_semaphore, #tpu.memory_space<semaphore_mem>>)
      %mul3A_114 = arith.constant 3 : i32
      %mul3A_115 = arith.muli %mul3A_114, %scan3A_65 : i32
      %add3A_116 = arith.constant 2 : i32
      %add3A_117 = arith.addi %mul3A_115, %add3A_116 : i32
      %mul3A_118 = arith.constant 128 : i32
      %mul3A_119 = arith.muli %add3A_117, %mul3A_118 : i32
      %add3A_120 = arith.addi %mul3A_2, %mul3A_119 : i32
      %dma_wait3A_121 = tpu.memref_slice %arg3[%add3A_120] : memref<320000xi32, #tpu.memory_space<hbm>> -> memref<128xi32, #tpu.memory_space<hbm>>
      %dma_wait3A_122 = tpu.memref_slice %arg3[%add3A_120] : memref<320000xi32, #tpu.memory_space<hbm>> -> memref<128xi32, #tpu.memory_space<hbm>>
      tpu.wait_dma2 semaphore(%arg17 : memref<!tpu.dma_semaphore, #tpu.memory_space<semaphore_mem>>) src(%dma_wait3A_122 : memref<128xi32, #tpu.memory_space<hbm>>) dst(%arg8 : memref<128xi32, #tpu.memory_space<vmem>>)
      %dma_wait3A_123 = arith.constant 0 : i32
      %dma_wait3A_124 = tpu.memref_slice %arg2[%add3A_120, %dma_wait3A_123] : memref<320000x16xf32, #tpu.memory_space<hbm>> -> memref<128x16xf32, #tpu.memory_space<hbm>>
      %dma_wait3A_125 = arith.constant 0 : i32
      %dma_wait3A_126 = tpu.memref_slice %arg2[%add3A_120, %dma_wait3A_125] : memref<320000x16xf32, #tpu.memory_space<hbm>> -> memref<128x16xf32, #tpu.memory_space<hbm>>
      tpu.wait_dma2 semaphore(%arg17 : memref<!tpu.dma_semaphore, #tpu.memory_space<semaphore_mem>>) src(%dma_wait3A_126 : memref<128x16xf32, #tpu.memory_space<hbm>>) dst(%arg11 : memref<128x16xf32, #tpu.memory_space<vmem>>)
      "tpu.region"() ({
        %run_scoped3A = tpu.sem_alloc : memref<!tpu.dma_semaphore, #tpu.memory_space<semaphore_mem>>
        %dma_start3A_138 = arith.constant 0 : i32
        %dma_start3A_139 = arith.constant 0 : i32
        %dma_start3A_140 = tpu.memref_slice %arg14[%dma_start3A_138, %dma_start3A_139] : memref<10000x16xf32, #tpu.memory_space<vmem_shared>> -> memref<10000x16xf32, #tpu.memory_space<vmem_shared>>
        tpu.enqueue_indirect_dma source(%arg11 : memref<128x16xf32, #tpu.memory_space<vmem>>) target(%dma_start3A_140 : memref<10000x16xf32, #tpu.memory_space<vmem_shared>>) offsets(%arg8 : memref<128xi32, #tpu.memory_space<vmem>>) semaphore(%run_scoped3A : memref<!tpu.dma_semaphore, #tpu.memory_space<semaphore_mem>>) {add = true}
        %dma_wait3A_141 = arith.constant 0 : i32
        %dma_wait3A_142 = arith.constant 0 : i32
        %dma_wait3A_143 = tpu.memref_slice %arg14[%dma_wait3A_141, %dma_wait3A_142] : memref<10000x16xf32, #tpu.memory_space<vmem_shared>> -> memref<10000x16xf32, #tpu.memory_space<vmem_shared>>
        tpu.wait_indirect_dma semaphore(%run_scoped3A : memref<!tpu.dma_semaphore, #tpu.memory_space<semaphore_mem>>) src(%arg11 : memref<128x16xf32, #tpu.memory_space<vmem>>) dst(%dma_wait3A_143 : memref<10000x16xf32, #tpu.memory_space<vmem_shared>>)
        tpu.yield
      }) : () -> ()
      %add3A_127 = arith.constant 3 : i32
      %add3A_128 = arith.addi %add3A_117, %add3A_127 : i32
      %mul3A_129 = arith.constant 128 : i32
      %mul3A_130 = arith.muli %add3A_128, %mul3A_129 : i32
      %add3A_131 = arith.addi %mul3A_2, %mul3A_130 : i32
      %dma_start3A_132 = tpu.memref_slice %arg3[%add3A_131] : memref<320000xi32, #tpu.memory_space<hbm>> -> memref<128xi32, #tpu.memory_space<hbm>>
      %dma_start3A_133 = tpu.memref_slice %arg3[%add3A_131] : memref<320000xi32, #tpu.memory_space<hbm>> -> memref<128xi32, #tpu.memory_space<hbm>>
      tpu.enqueue_dma source(%dma_start3A_133 : memref<128xi32, #tpu.memory_space<hbm>>) target(%arg8 : memref<128xi32, #tpu.memory_space<vmem>>) target_semaphore(%arg17 : memref<!tpu.dma_semaphore, #tpu.memory_space<semaphore_mem>>)
      %dma_start3A_134 = arith.constant 0 : i32
      %dma_start3A_135 = tpu.memref_slice %arg2[%add3A_131, %dma_start3A_134] : memref<320000x16xf32, #tpu.memory_space<hbm>> -> memref<128x16xf32, #tpu.memory_space<hbm>>
      %dma_start3A_136 = arith.constant 0 : i32
      %dma_start3A_137 = tpu.memref_slice %arg2[%add3A_131, %dma_start3A_136] : memref<320000x16xf32, #tpu.memory_space<hbm>> -> memref<128x16xf32, #tpu.memory_space<hbm>>
      tpu.enqueue_dma source(%dma_start3A_137 : memref<128x16xf32, #tpu.memory_space<hbm>>) target(%arg11 : memref<128x16xf32, #tpu.memory_space<vmem>>) target_semaphore(%arg17 : memref<!tpu.dma_semaphore, #tpu.memory_space<semaphore_mem>>)
    }
    %scan3A_34 = arith.constant 25 : i32
    %add3A_35 = arith.constant 9600 : i32
    %add3A_36 = arith.addi %mul3A_2, %add3A_35 : i32
    %dma_wait3A = tpu.memref_slice %arg3[%add3A_36] : memref<320000xi32, #tpu.memory_space<hbm>> -> memref<128xi32, #tpu.memory_space<hbm>>
    %dma_wait3A_37 = tpu.memref_slice %arg3[%add3A_36] : memref<320000xi32, #tpu.memory_space<hbm>> -> memref<128xi32, #tpu.memory_space<hbm>>
    tpu.wait_dma2 semaphore(%arg15 : memref<!tpu.dma_semaphore, #tpu.memory_space<semaphore_mem>>) src(%dma_wait3A_37 : memref<128xi32, #tpu.memory_space<hbm>>) dst(%arg6 : memref<128xi32, #tpu.memory_space<vmem>>)
    %dma_wait3A_38 = arith.constant 0 : i32
    %dma_wait3A_39 = tpu.memref_slice %arg2[%add3A_36, %dma_wait3A_38] : memref<320000x16xf32, #tpu.memory_space<hbm>> -> memref<128x16xf32, #tpu.memory_space<hbm>>
    %dma_wait3A_40 = arith.constant 0 : i32
    %dma_wait3A_41 = tpu.memref_slice %arg2[%add3A_36, %dma_wait3A_40] : memref<320000x16xf32, #tpu.memory_space<hbm>> -> memref<128x16xf32, #tpu.memory_space<hbm>>
    tpu.wait_dma2 semaphore(%arg15 : memref<!tpu.dma_semaphore, #tpu.memory_space<semaphore_mem>>) src(%dma_wait3A_41 : memref<128x16xf32, #tpu.memory_space<hbm>>) dst(%arg9 : memref<128x16xf32, #tpu.memory_space<vmem>>)
    "tpu.region"() ({
      %run_scoped3A = tpu.sem_alloc : memref<!tpu.dma_semaphore, #tpu.memory_space<semaphore_mem>>
      %dma_start3A_65 = arith.constant 0 : i32
      %dma_start3A_66 = arith.constant 0 : i32
      %dma_start3A_67 = tpu.memref_slice %arg14[%dma_start3A_65, %dma_start3A_66] : memref<10000x16xf32, #tpu.memory_space<vmem_shared>> -> memref<10000x16xf32, #tpu.memory_space<vmem_shared>>
      tpu.enqueue_indirect_dma source(%arg9 : memref<128x16xf32, #tpu.memory_space<vmem>>) target(%dma_start3A_67 : memref<10000x16xf32, #tpu.memory_space<vmem_shared>>) offsets(%arg6 : memref<128xi32, #tpu.memory_space<vmem>>) semaphore(%run_scoped3A : memref<!tpu.dma_semaphore, #tpu.memory_space<semaphore_mem>>) {add = true}
      %dma_wait3A_68 = arith.constant 0 : i32
      %dma_wait3A_69 = arith.constant 0 : i32
      %dma_wait3A_70 = tpu.memref_slice %arg14[%dma_wait3A_68, %dma_wait3A_69] : memref<10000x16xf32, #tpu.memory_space<vmem_shared>> -> memref<10000x16xf32, #tpu.memory_space<vmem_shared>>
      tpu.wait_indirect_dma semaphore(%run_scoped3A : memref<!tpu.dma_semaphore, #tpu.memory_space<semaphore_mem>>) src(%arg9 : memref<128x16xf32, #tpu.memory_space<vmem>>) dst(%dma_wait3A_70 : memref<10000x16xf32, #tpu.memory_space<vmem_shared>>)
      tpu.yield
    }) : () -> ()
    %add3A_42 = arith.constant 9728 : i32
    %add3A_43 = arith.addi %mul3A_2, %add3A_42 : i32
    %dma_wait3A_44 = tpu.memref_slice %arg3[%add3A_43] : memref<320000xi32, #tpu.memory_space<hbm>> -> memref<128xi32, #tpu.memory_space<hbm>>
    %dma_wait3A_45 = tpu.memref_slice %arg3[%add3A_43] : memref<320000xi32, #tpu.memory_space<hbm>> -> memref<128xi32, #tpu.memory_space<hbm>>
    tpu.wait_dma2 semaphore(%arg16 : memref<!tpu.dma_semaphore, #tpu.memory_space<semaphore_mem>>) src(%dma_wait3A_45 : memref<128xi32, #tpu.memory_space<hbm>>) dst(%arg7 : memref<128xi32, #tpu.memory_space<vmem>>)
    %dma_wait3A_46 = arith.constant 0 : i32
    %dma_wait3A_47 = tpu.memref_slice %arg2[%add3A_43, %dma_wait3A_46] : memref<320000x16xf32, #tpu.memory_space<hbm>> -> memref<128x16xf32, #tpu.memory_space<hbm>>
    %dma_wait3A_48 = arith.constant 0 : i32
    %dma_wait3A_49 = tpu.memref_slice %arg2[%add3A_43, %dma_wait3A_48] : memref<320000x16xf32, #tpu.memory_space<hbm>> -> memref<128x16xf32, #tpu.memory_space<hbm>>
    tpu.wait_dma2 semaphore(%arg16 : memref<!tpu.dma_semaphore, #tpu.memory_space<semaphore_mem>>) src(%dma_wait3A_49 : memref<128x16xf32, #tpu.memory_space<hbm>>) dst(%arg10 : memref<128x16xf32, #tpu.memory_space<vmem>>)
    "tpu.region"() ({
      %run_scoped3A = tpu.sem_alloc : memref<!tpu.dma_semaphore, #tpu.memory_space<semaphore_mem>>
      %dma_start3A_65 = arith.constant 0 : i32
      %dma_start3A_66 = arith.constant 0 : i32
      %dma_start3A_67 = tpu.memref_slice %arg14[%dma_start3A_65, %dma_start3A_66] : memref<10000x16xf32, #tpu.memory_space<vmem_shared>> -> memref<10000x16xf32, #tpu.memory_space<vmem_shared>>
      tpu.enqueue_indirect_dma source(%arg10 : memref<128x16xf32, #tpu.memory_space<vmem>>) target(%dma_start3A_67 : memref<10000x16xf32, #tpu.memory_space<vmem_shared>>) offsets(%arg7 : memref<128xi32, #tpu.memory_space<vmem>>) semaphore(%run_scoped3A : memref<!tpu.dma_semaphore, #tpu.memory_space<semaphore_mem>>) {add = true}
      %dma_wait3A_68 = arith.constant 0 : i32
      %dma_wait3A_69 = arith.constant 0 : i32
      %dma_wait3A_70 = tpu.memref_slice %arg14[%dma_wait3A_68, %dma_wait3A_69] : memref<10000x16xf32, #tpu.memory_space<vmem_shared>> -> memref<10000x16xf32, #tpu.memory_space<vmem_shared>>
      tpu.wait_indirect_dma semaphore(%run_scoped3A : memref<!tpu.dma_semaphore, #tpu.memory_space<semaphore_mem>>) src(%arg10 : memref<128x16xf32, #tpu.memory_space<vmem>>) dst(%dma_wait3A_70 : memref<10000x16xf32, #tpu.memory_space<vmem_shared>>)
      tpu.yield
    }) : () -> ()
    %add3A_50 = arith.constant 9856 : i32
    %add3A_51 = arith.addi %mul3A_2, %add3A_50 : i32
    %dma_wait3A_52 = tpu.memref_slice %arg3[%add3A_51] : memref<320000xi32, #tpu.memory_space<hbm>> -> memref<128xi32, #tpu.memory_space<hbm>>
    %dma_wait3A_53 = tpu.memref_slice %arg3[%add3A_51] : memref<320000xi32, #tpu.memory_space<hbm>> -> memref<128xi32, #tpu.memory_space<hbm>>
    tpu.wait_dma2 semaphore(%arg17 : memref<!tpu.dma_semaphore, #tpu.memory_space<semaphore_mem>>) src(%dma_wait3A_53 : memref<128xi32, #tpu.memory_space<hbm>>) dst(%arg8 : memref<128xi32, #tpu.memory_space<vmem>>)
    %dma_wait3A_54 = arith.constant 0 : i32
    %dma_wait3A_55 = tpu.memref_slice %arg2[%add3A_51, %dma_wait3A_54] : memref<320000x16xf32, #tpu.memory_space<hbm>> -> memref<128x16xf32, #tpu.memory_space<hbm>>
    %dma_wait3A_56 = arith.constant 0 : i32
    %dma_wait3A_57 = tpu.memref_slice %arg2[%add3A_51, %dma_wait3A_56] : memref<320000x16xf32, #tpu.memory_space<hbm>> -> memref<128x16xf32, #tpu.memory_space<hbm>>
    tpu.wait_dma2 semaphore(%arg17 : memref<!tpu.dma_semaphore, #tpu.memory_space<semaphore_mem>>) src(%dma_wait3A_57 : memref<128x16xf32, #tpu.memory_space<hbm>>) dst(%arg11 : memref<128x16xf32, #tpu.memory_space<vmem>>)
    "tpu.region"() ({
      %run_scoped3A = tpu.sem_alloc : memref<!tpu.dma_semaphore, #tpu.memory_space<semaphore_mem>>
      %dma_start3A_65 = arith.constant 0 : i32
      %dma_start3A_66 = arith.constant 0 : i32
      %dma_start3A_67 = tpu.memref_slice %arg14[%dma_start3A_65, %dma_start3A_66] : memref<10000x16xf32, #tpu.memory_space<vmem_shared>> -> memref<10000x16xf32, #tpu.memory_space<vmem_shared>>
      tpu.enqueue_indirect_dma source(%arg11 : memref<128x16xf32, #tpu.memory_space<vmem>>) target(%dma_start3A_67 : memref<10000x16xf32, #tpu.memory_space<vmem_shared>>) offsets(%arg8 : memref<128xi32, #tpu.memory_space<vmem>>) semaphore(%run_scoped3A : memref<!tpu.dma_semaphore, #tpu.memory_space<semaphore_mem>>) {add = true}
      %dma_wait3A_68 = arith.constant 0 : i32
      %dma_wait3A_69 = arith.constant 0 : i32
      %dma_wait3A_70 = tpu.memref_slice %arg14[%dma_wait3A_68, %dma_wait3A_69] : memref<10000x16xf32, #tpu.memory_space<vmem_shared>> -> memref<10000x16xf32, #tpu.memory_space<vmem_shared>>
      tpu.wait_indirect_dma semaphore(%run_scoped3A : memref<!tpu.dma_semaphore, #tpu.memory_space<semaphore_mem>>) src(%arg11 : memref<128x16xf32, #tpu.memory_space<vmem>>) dst(%dma_wait3A_70 : memref<10000x16xf32, #tpu.memory_space<vmem_shared>>)
      tpu.yield
    }) : () -> ()
    %add3A_58 = arith.constant 9984 : i32
    %add3A_59 = arith.addi %mul3A_2, %add3A_58 : i32
    "tpu.region"() ({
      %run_scoped3A = tpu.sem_alloc : memref<!tpu.dma_semaphore, #tpu.memory_space<semaphore_mem>>
      %dma_start3A_65 = tpu.memref_slice %arg3[%add3A_59] : memref<320000xi32, #tpu.memory_space<hbm>> -> memref<16xi32, #tpu.memory_space<hbm>>
      %dma_start3A_66 = tpu.memref_slice %arg3[%add3A_59] : memref<320000xi32, #tpu.memory_space<hbm>> -> memref<16xi32, #tpu.memory_space<hbm>>
      tpu.enqueue_dma source(%dma_start3A_66 : memref<16xi32, #tpu.memory_space<hbm>>) target(%arg12 : memref<16xi32, #tpu.memory_space<vmem>>) target_semaphore(%run_scoped3A : memref<!tpu.dma_semaphore, #tpu.memory_space<semaphore_mem>>)
      %dma_wait3A_67 = tpu.memref_slice %arg3[%add3A_59] : memref<320000xi32, #tpu.memory_space<hbm>> -> memref<16xi32, #tpu.memory_space<hbm>>
      %dma_wait3A_68 = tpu.memref_slice %arg3[%add3A_59] : memref<320000xi32, #tpu.memory_space<hbm>> -> memref<16xi32, #tpu.memory_space<hbm>>
      tpu.wait_dma2 semaphore(%run_scoped3A : memref<!tpu.dma_semaphore, #tpu.memory_space<semaphore_mem>>) src(%dma_wait3A_68 : memref<16xi32, #tpu.memory_space<hbm>>) dst(%arg12 : memref<16xi32, #tpu.memory_space<vmem>>)
      tpu.yield
    }) : () -> ()
    "tpu.region"() ({
      %run_scoped3A = tpu.sem_alloc : memref<!tpu.dma_semaphore, #tpu.memory_space<semaphore_mem>>
      %dma_start3A_65 = arith.constant 0 : i32
      %dma_start3A_66 = tpu.memref_slice %arg2[%add3A_59, %dma_start3A_65] : memref<320000x16xf32, #tpu.memory_space<hbm>> -> memref<16x16xf32, #tpu.memory_space<hbm>>
      %dma_start3A_67 = arith.constant 0 : i32
      %dma_start3A_68 = tpu.memref_slice %arg2[%add3A_59, %dma_start3A_67] : memref<320000x16xf32, #tpu.memory_space<hbm>> -> memref<16x16xf32, #tpu.memory_space<hbm>>
      tpu.enqueue_dma source(%dma_start3A_68 : memref<16x16xf32, #tpu.memory_space<hbm>>) target(%arg13 : memref<16x16xf32, #tpu.memory_space<vmem>>) target_semaphore(%run_scoped3A : memref<!tpu.dma_semaphore, #tpu.memory_space<semaphore_mem>>)
      %dma_wait3A_69 = arith.constant 0 : i32
      %dma_wait3A_70 = tpu.memref_slice %arg2[%add3A_59, %dma_wait3A_69] : memref<320000x16xf32, #tpu.memory_space<hbm>> -> memref<16x16xf32, #tpu.memory_space<hbm>>
      %dma_wait3A_71 = arith.constant 0 : i32
      %dma_wait3A_72 = tpu.memref_slice %arg2[%add3A_59, %dma_wait3A_71] : memref<320000x16xf32, #tpu.memory_space<hbm>> -> memref<16x16xf32, #tpu.memory_space<hbm>>
      tpu.wait_dma2 semaphore(%run_scoped3A : memref<!tpu.dma_semaphore, #tpu.memory_space<semaphore_mem>>) src(%dma_wait3A_72 : memref<16x16xf32, #tpu.memory_space<hbm>>) dst(%arg13 : memref<16x16xf32, #tpu.memory_space<vmem>>)
      tpu.yield
    }) : () -> ()
    "tpu.region"() ({
      %run_scoped3A = tpu.sem_alloc : memref<!tpu.dma_semaphore, #tpu.memory_space<semaphore_mem>>
      %dma_start3A_65 = arith.constant 0 : i32
      %dma_start3A_66 = arith.constant 0 : i32
      %dma_start3A_67 = tpu.memref_slice %arg14[%dma_start3A_65, %dma_start3A_66] : memref<10000x16xf32, #tpu.memory_space<vmem_shared>> -> memref<10000x16xf32, #tpu.memory_space<vmem_shared>>
      tpu.enqueue_indirect_dma source(%arg13 : memref<16x16xf32, #tpu.memory_space<vmem>>) target(%dma_start3A_67 : memref<10000x16xf32, #tpu.memory_space<vmem_shared>>) offsets(%arg12 : memref<16xi32, #tpu.memory_space<vmem>>) semaphore(%run_scoped3A : memref<!tpu.dma_semaphore, #tpu.memory_space<semaphore_mem>>) {add = true}
      %dma_wait3A_68 = arith.constant 0 : i32
      %dma_wait3A_69 = arith.constant 0 : i32
      %dma_wait3A_70 = tpu.memref_slice %arg14[%dma_wait3A_68, %dma_wait3A_69] : memref<10000x16xf32, #tpu.memory_space<vmem_shared>> -> memref<10000x16xf32, #tpu.memory_space<vmem_shared>>
      tpu.wait_indirect_dma semaphore(%run_scoped3A : memref<!tpu.dma_semaphore, #tpu.memory_space<semaphore_mem>>) src(%arg13 : memref<16x16xf32, #tpu.memory_space<vmem>>) dst(%dma_wait3A_70 : memref<10000x16xf32, #tpu.memory_space<vmem_shared>>)
      tpu.yield
    }) : () -> ()
    %barrier3A_60 = arith.constant 0 : index
    tpu.barrier barrier_id(%barrier3A_60)
    %mul3A_61 = arith.constant 625 : i32
    %mul3A_62 = arith.muli %arg1, %mul3A_61 : i32
    %mul3A_63 = arith.constant 625 : i32
    %mul3A_64 = arith.muli %arg1, %mul3A_63 : i32
    "tpu.region"() ({
      %run_scoped3A = tpu.sem_alloc : memref<!tpu.dma_semaphore, #tpu.memory_space<semaphore_mem>>
      %dma_start3A_65 = arith.constant 0 : i32
      %dma_start3A_66 = tpu.memref_slice %arg5[%arg0, %mul3A_64, %dma_start3A_65] : memref<2x10000x16xf32, #tpu.memory_space<hbm>> -> memref<1x625x16xf32, #tpu.memory_space<hbm>>
      %dma_start3A_67 = tpu.memref_squeeze %dma_start3A_66 : memref<1x625x16xf32, #tpu.memory_space<hbm>> -> memref<625x16xf32, #tpu.memory_space<hbm>>
      %dma_start3A_68 = arith.constant 0 : i32
      %dma_start3A_69 = tpu.memref_slice %arg14[%mul3A_62, %dma_start3A_68] : memref<10000x16xf32, #tpu.memory_space<vmem_shared>> -> memref<625x16xf32, #tpu.memory_space<vmem_shared>>
      tpu.enqueue_dma source(%dma_start3A_69 : memref<625x16xf32, #tpu.memory_space<vmem_shared>>) target(%dma_start3A_67 : memref<625x16xf32, #tpu.memory_space<hbm>>) target_semaphore(%run_scoped3A : memref<!tpu.dma_semaphore, #tpu.memory_space<semaphore_mem>>)
      %dma_wait3A_70 = arith.constant 0 : i32
      %dma_wait3A_71 = tpu.memref_slice %arg5[%arg0, %mul3A_64, %dma_wait3A_70] : memref<2x10000x16xf32, #tpu.memory_space<hbm>> -> memref<1x625x16xf32, #tpu.memory_space<hbm>>
      %dma_wait3A_72 = tpu.memref_squeeze %dma_wait3A_71 : memref<1x625x16xf32, #tpu.memory_space<hbm>> -> memref<625x16xf32, #tpu.memory_space<hbm>>
      %dma_wait3A_73 = arith.constant 0 : i32
      %dma_wait3A_74 = tpu.memref_slice %arg14[%mul3A_62, %dma_wait3A_73] : memref<10000x16xf32, #tpu.memory_space<vmem_shared>> -> memref<625x16xf32, #tpu.memory_space<vmem_shared>>
      tpu.wait_dma2 semaphore(%run_scoped3A : memref<!tpu.dma_semaphore, #tpu.memory_space<semaphore_mem>>) src(%dma_wait3A_74 : memref<625x16xf32, #tpu.memory_space<vmem_shared>>) dst(%dma_wait3A_72 : memref<625x16xf32, #tpu.memory_space<hbm>>)
      tpu.yield
    }) : () -> ()
    return
  }
}

#map = affine_map<(d0, d1) -> (0, 0)>
#map1 = affine_map<(d0, d1) -> (0)>
#map2 = affine_map<(d0, d1) -> (0, 0, 0)>
module attributes {stable_mosaic.version = 14 : i64} {
  func.func @k(%arg0: i32, %arg1: i32, %arg2: memref<10000x64xf32, #tpu.memory_space<hbm>>, %arg3: memref<10000x64xf32, #tpu.memory_space<hbm>>, %arg4: memref<320000xi32, #tpu.memory_space<hbm>>, %arg5: memref<320000xi32, #tpu.memory_space<hbm>>, %arg6: memref<10000x16xf32, #tpu.memory_space<hbm>>, %arg7: memref<128x16xf32, #tpu.memory_space<hbm>>, %arg8: memref<320000x64xf32, #tpu.memory_space<hbm>>, %arg9: memref<2x10000x16xf32, #tpu.memory_space<hbm>>, %arg10: memref<128xi32, #tpu.memory_space<vmem>>, %arg11: memref<128xi32, #tpu.memory_space<vmem>>, %arg12: memref<128xi32, #tpu.memory_space<vmem>>, %arg13: memref<128xi32, #tpu.memory_space<vmem>>, %arg14: memref<128xi32, #tpu.memory_space<vmem>>, %arg15: memref<128xi32, #tpu.memory_space<vmem>>, %arg16: memref<128x64xf32, #tpu.memory_space<vmem>>, %arg17: memref<128x64xf32, #tpu.memory_space<vmem>>, %arg18: memref<128x64xf32, #tpu.memory_space<vmem>>, %arg19: memref<16xi32, #tpu.memory_space<vmem>>, %arg20: memref<16xi32, #tpu.memory_space<vmem>>, %arg21: memref<16x64xf32, #tpu.memory_space<vmem>>, %arg22: memref<128x16xf32, #tpu.memory_space<vmem>>, %arg23: memref<10000x16xf32, #tpu.memory_space<vmem_shared>>, %arg24: memref<!tpu.dma_semaphore, #tpu.memory_space<semaphore_mem>>, %arg25: memref<!tpu.dma_semaphore, #tpu.memory_space<semaphore_mem>>, %arg26: memref<!tpu.dma_semaphore, #tpu.memory_space<semaphore_mem>>, %arg27: memref<!tpu.dma_semaphore, #tpu.memory_space<semaphore_mem>>, %arg28: memref<!tpu.dma_semaphore, #tpu.memory_space<semaphore_mem>>, %arg29: memref<!tpu.dma_semaphore, #tpu.memory_space<semaphore_mem>>, %arg30: memref<!tpu.dma_semaphore, #tpu.memory_space<semaphore_mem>>, %arg31: memref<!tpu.dma_semaphore, #tpu.memory_space<semaphore_mem>>, %arg32: memref<!tpu.dma_semaphore, #tpu.memory_space<semaphore_mem>>, %arg33: memref<!tpu.dma_semaphore, #tpu.memory_space<semaphore_mem>>, %arg34: memref<!tpu.dma_semaphore, #tpu.memory_space<semaphore_mem>>, %arg35: memref<!tpu.dma_semaphore, #tpu.memory_space<semaphore_mem>>) attributes {dimension_semantics = [#tpu.dimension_semantics<core_parallel>, #tpu.dimension_semantics<subcore_parallel>], iteration_bounds = array<i64: 2, 16>, scalar_prefetch = 0 : i64, scratch_operands = 26 : i64, tpu.core_type = #tpu.core_type<sc_vector_subcore>, window_params = [{transform_indices = #map}, {transform_indices = #map}, {transform_indices = #map1}, {transform_indices = #map1}, {transform_indices = #map}, {transform_indices = #map}, {transform_indices = #map}, {transform_indices = #map2}]} {
    %mul3A = arith.constant 2 : i32
    %mul3A_0 = arith.muli %arg1, %mul3A : i32
    %add3A = arith.addi %mul3A_0, %arg0 : i32
    %mul3A_1 = arith.constant 10000 : i32
    %mul3A_2 = arith.muli %add3A, %mul3A_1 : i32
    %mul3A_3 = arith.constant 625 : i32
    %mul3A_4 = arith.muli %arg1, %mul3A_3 : i32
    %mul3A_5 = arith.constant 625 : i32
    %mul3A_6 = arith.muli %arg1, %mul3A_5 : i32
    "tpu.region"() ({
      %run_scoped3A = tpu.sem_alloc : memref<!tpu.dma_semaphore, #tpu.memory_space<semaphore_mem>>
      %dma_start3A_125 = arith.constant 0 : i32
      %dma_start3A_126 = tpu.memref_slice %arg23[%mul3A_6, %dma_start3A_125] : memref<10000x16xf32, #tpu.memory_space<vmem_shared>> -> memref<625x16xf32, #tpu.memory_space<vmem_shared>>
      %dma_start3A_127 = arith.constant 0 : i32
      %dma_start3A_128 = tpu.memref_slice %arg6[%mul3A_4, %dma_start3A_127] : memref<10000x16xf32, #tpu.memory_space<hbm>> -> memref<625x16xf32, #tpu.memory_space<hbm>>
      tpu.enqueue_dma source(%dma_start3A_128 : memref<625x16xf32, #tpu.memory_space<hbm>>) target(%dma_start3A_126 : memref<625x16xf32, #tpu.memory_space<vmem_shared>>) target_semaphore(%run_scoped3A : memref<!tpu.dma_semaphore, #tpu.memory_space<semaphore_mem>>)
      %dma_wait3A_129 = arith.constant 0 : i32
      %dma_wait3A_130 = tpu.memref_slice %arg23[%mul3A_6, %dma_wait3A_129] : memref<10000x16xf32, #tpu.memory_space<vmem_shared>> -> memref<625x16xf32, #tpu.memory_space<vmem_shared>>
      %dma_wait3A_131 = arith.constant 0 : i32
      %dma_wait3A_132 = tpu.memref_slice %arg6[%mul3A_4, %dma_wait3A_131] : memref<10000x16xf32, #tpu.memory_space<hbm>> -> memref<625x16xf32, #tpu.memory_space<hbm>>
      tpu.wait_dma2 semaphore(%run_scoped3A : memref<!tpu.dma_semaphore, #tpu.memory_space<semaphore_mem>>) src(%dma_wait3A_132 : memref<625x16xf32, #tpu.memory_space<hbm>>) dst(%dma_wait3A_130 : memref<625x16xf32, #tpu.memory_space<vmem_shared>>)
      tpu.yield
    }) : () -> ()
    "tpu.region"() ({
      %run_scoped3A = tpu.sem_alloc : memref<!tpu.dma_semaphore, #tpu.memory_space<semaphore_mem>>
      tpu.enqueue_dma source(%arg7 : memref<128x16xf32, #tpu.memory_space<hbm>>) target(%arg22 : memref<128x16xf32, #tpu.memory_space<vmem>>) target_semaphore(%run_scoped3A : memref<!tpu.dma_semaphore, #tpu.memory_space<semaphore_mem>>)
      tpu.wait_dma2 semaphore(%run_scoped3A : memref<!tpu.dma_semaphore, #tpu.memory_space<semaphore_mem>>) src(%arg7 : memref<128x16xf32, #tpu.memory_space<hbm>>) dst(%arg22 : memref<128x16xf32, #tpu.memory_space<vmem>>)
      tpu.yield
    }) : () -> ()
    %barrier3A = arith.constant 0 : index
    tpu.barrier barrier_id(%barrier3A)
    %add3A_7 = arith.constant 0 : i32
    %add3A_8 = arith.addi %mul3A_2, %add3A_7 : i32
    %dma_start3A = tpu.memref_slice %arg4[%add3A_8] : memref<320000xi32, #tpu.memory_space<hbm>> -> memref<128xi32, #tpu.memory_space<hbm>>
    %dma_start3A_9 = tpu.memref_slice %arg4[%add3A_8] : memref<320000xi32, #tpu.memory_space<hbm>> -> memref<128xi32, #tpu.memory_space<hbm>>
    tpu.enqueue_dma source(%dma_start3A_9 : memref<128xi32, #tpu.memory_space<hbm>>) target(%arg10 : memref<128xi32, #tpu.memory_space<vmem>>) target_semaphore(%arg24 : memref<!tpu.dma_semaphore, #tpu.memory_space<semaphore_mem>>)
    %dma_start3A_10 = tpu.memref_slice %arg5[%add3A_8] : memref<320000xi32, #tpu.memory_space<hbm>> -> memref<128xi32, #tpu.memory_space<hbm>>
    %dma_start3A_11 = tpu.memref_slice %arg5[%add3A_8] : memref<320000xi32, #tpu.memory_space<hbm>> -> memref<128xi32, #tpu.memory_space<hbm>>
    tpu.enqueue_dma source(%dma_start3A_11 : memref<128xi32, #tpu.memory_space<hbm>>) target(%arg13 : memref<128xi32, #tpu.memory_space<vmem>>) target_semaphore(%arg24 : memref<!tpu.dma_semaphore, #tpu.memory_space<semaphore_mem>>)
    %add3A_12 = arith.constant 128 : i32
    %add3A_13 = arith.addi %mul3A_2, %add3A_12 : i32
    %dma_start3A_14 = tpu.memref_slice %arg4[%add3A_13] : memref<320000xi32, #tpu.memory_space<hbm>> -> memref<128xi32, #tpu.memory_space<hbm>>
    %dma_start3A_15 = tpu.memref_slice %arg4[%add3A_13] : memref<320000xi32, #tpu.memory_space<hbm>> -> memref<128xi32, #tpu.memory_space<hbm>>
    tpu.enqueue_dma source(%dma_start3A_15 : memref<128xi32, #tpu.memory_space<hbm>>) target(%arg11 : memref<128xi32, #tpu.memory_space<vmem>>) target_semaphore(%arg25 : memref<!tpu.dma_semaphore, #tpu.memory_space<semaphore_mem>>)
    %dma_start3A_16 = tpu.memref_slice %arg5[%add3A_13] : memref<320000xi32, #tpu.memory_space<hbm>> -> memref<128xi32, #tpu.memory_space<hbm>>
    %dma_start3A_17 = tpu.memref_slice %arg5[%add3A_13] : memref<320000xi32, #tpu.memory_space<hbm>> -> memref<128xi32, #tpu.memory_space<hbm>>
    tpu.enqueue_dma source(%dma_start3A_17 : memref<128xi32, #tpu.memory_space<hbm>>) target(%arg14 : memref<128xi32, #tpu.memory_space<vmem>>) target_semaphore(%arg25 : memref<!tpu.dma_semaphore, #tpu.memory_space<semaphore_mem>>)
    %add3A_18 = arith.constant 256 : i32
    %add3A_19 = arith.addi %mul3A_2, %add3A_18 : i32
    %dma_start3A_20 = tpu.memref_slice %arg4[%add3A_19] : memref<320000xi32, #tpu.memory_space<hbm>> -> memref<128xi32, #tpu.memory_space<hbm>>
    %dma_start3A_21 = tpu.memref_slice %arg4[%add3A_19] : memref<320000xi32, #tpu.memory_space<hbm>> -> memref<128xi32, #tpu.memory_space<hbm>>
    tpu.enqueue_dma source(%dma_start3A_21 : memref<128xi32, #tpu.memory_space<hbm>>) target(%arg12 : memref<128xi32, #tpu.memory_space<vmem>>) target_semaphore(%arg26 : memref<!tpu.dma_semaphore, #tpu.memory_space<semaphore_mem>>)
    %dma_start3A_22 = tpu.memref_slice %arg5[%add3A_19] : memref<320000xi32, #tpu.memory_space<hbm>> -> memref<128xi32, #tpu.memory_space<hbm>>
    %dma_start3A_23 = tpu.memref_slice %arg5[%add3A_19] : memref<320000xi32, #tpu.memory_space<hbm>> -> memref<128xi32, #tpu.memory_space<hbm>>
    tpu.enqueue_dma source(%dma_start3A_23 : memref<128xi32, #tpu.memory_space<hbm>>) target(%arg15 : memref<128xi32, #tpu.memory_space<vmem>>) target_semaphore(%arg26 : memref<!tpu.dma_semaphore, #tpu.memory_space<semaphore_mem>>)
    %add3A_24 = arith.constant 0 : i32
    %add3A_25 = arith.addi %mul3A_2, %add3A_24 : i32
    %dma_wait3A = tpu.memref_slice %arg4[%add3A_25] : memref<320000xi32, #tpu.memory_space<hbm>> -> memref<128xi32, #tpu.memory_space<hbm>>
    %dma_wait3A_26 = tpu.memref_slice %arg4[%add3A_25] : memref<320000xi32, #tpu.memory_space<hbm>> -> memref<128xi32, #tpu.memory_space<hbm>>
    tpu.wait_dma2 semaphore(%arg24 : memref<!tpu.dma_semaphore, #tpu.memory_space<semaphore_mem>>) src(%dma_wait3A_26 : memref<128xi32, #tpu.memory_space<hbm>>) dst(%arg10 : memref<128xi32, #tpu.memory_space<vmem>>)
    %dma_wait3A_27 = tpu.memref_slice %arg5[%add3A_25] : memref<320000xi32, #tpu.memory_space<hbm>> -> memref<128xi32, #tpu.memory_space<hbm>>
    %dma_wait3A_28 = tpu.memref_slice %arg5[%add3A_25] : memref<320000xi32, #tpu.memory_space<hbm>> -> memref<128xi32, #tpu.memory_space<hbm>>
    tpu.wait_dma2 semaphore(%arg24 : memref<!tpu.dma_semaphore, #tpu.memory_space<semaphore_mem>>) src(%dma_wait3A_28 : memref<128xi32, #tpu.memory_space<hbm>>) dst(%arg13 : memref<128xi32, #tpu.memory_space<vmem>>)
    %dma_start3A_29 = arith.constant 0 : i32
    %dma_start3A_30 = arith.constant 0 : i32
    %dma_start3A_31 = tpu.memref_slice %arg2[%dma_start3A_29, %dma_start3A_30] : memref<10000x64xf32, #tpu.memory_space<hbm>> -> memref<10000x64xf32, #tpu.memory_space<hbm>>
    tpu.enqueue_indirect_dma source(%dma_start3A_31 : memref<10000x64xf32, #tpu.memory_space<hbm>>) target(%arg16 : memref<128x64xf32, #tpu.memory_space<vmem>>) offsets(%arg10 : memref<128xi32, #tpu.memory_space<vmem>>) semaphore(%arg27 : memref<!tpu.dma_semaphore, #tpu.memory_space<semaphore_mem>>)
    %add3A_32 = arith.constant 128 : i32
    %add3A_33 = arith.addi %mul3A_2, %add3A_32 : i32
    %dma_wait3A_34 = tpu.memref_slice %arg4[%add3A_33] : memref<320000xi32, #tpu.memory_space<hbm>> -> memref<128xi32, #tpu.memory_space<hbm>>
    %dma_wait3A_35 = tpu.memref_slice %arg4[%add3A_33] : memref<320000xi32, #tpu.memory_space<hbm>> -> memref<128xi32, #tpu.memory_space<hbm>>
    tpu.wait_dma2 semaphore(%arg25 : memref<!tpu.dma_semaphore, #tpu.memory_space<semaphore_mem>>) src(%dma_wait3A_35 : memref<128xi32, #tpu.memory_space<hbm>>) dst(%arg11 : memref<128xi32, #tpu.memory_space<vmem>>)
    %dma_wait3A_36 = tpu.memref_slice %arg5[%add3A_33] : memref<320000xi32, #tpu.memory_space<hbm>> -> memref<128xi32, #tpu.memory_space<hbm>>
    %dma_wait3A_37 = tpu.memref_slice %arg5[%add3A_33] : memref<320000xi32, #tpu.memory_space<hbm>> -> memref<128xi32, #tpu.memory_space<hbm>>
    tpu.wait_dma2 semaphore(%arg25 : memref<!tpu.dma_semaphore, #tpu.memory_space<semaphore_mem>>) src(%dma_wait3A_37 : memref<128xi32, #tpu.memory_space<hbm>>) dst(%arg14 : memref<128xi32, #tpu.memory_space<vmem>>)
    %dma_start3A_38 = arith.constant 0 : i32
    %dma_start3A_39 = arith.constant 0 : i32
    %dma_start3A_40 = tpu.memref_slice %arg2[%dma_start3A_38, %dma_start3A_39] : memref<10000x64xf32, #tpu.memory_space<hbm>> -> memref<10000x64xf32, #tpu.memory_space<hbm>>
    tpu.enqueue_indirect_dma source(%dma_start3A_40 : memref<10000x64xf32, #tpu.memory_space<hbm>>) target(%arg17 : memref<128x64xf32, #tpu.memory_space<vmem>>) offsets(%arg11 : memref<128xi32, #tpu.memory_space<vmem>>) semaphore(%arg28 : memref<!tpu.dma_semaphore, #tpu.memory_space<semaphore_mem>>)
    %add3A_41 = arith.constant 256 : i32
    %add3A_42 = arith.addi %mul3A_2, %add3A_41 : i32
    %dma_wait3A_43 = tpu.memref_slice %arg4[%add3A_42] : memref<320000xi32, #tpu.memory_space<hbm>> -> memref<128xi32, #tpu.memory_space<hbm>>
    %dma_wait3A_44 = tpu.memref_slice %arg4[%add3A_42] : memref<320000xi32, #tpu.memory_space<hbm>> -> memref<128xi32, #tpu.memory_space<hbm>>
    tpu.wait_dma2 semaphore(%arg26 : memref<!tpu.dma_semaphore, #tpu.memory_space<semaphore_mem>>) src(%dma_wait3A_44 : memref<128xi32, #tpu.memory_space<hbm>>) dst(%arg12 : memref<128xi32, #tpu.memory_space<vmem>>)
    %dma_wait3A_45 = tpu.memref_slice %arg5[%add3A_42] : memref<320000xi32, #tpu.memory_space<hbm>> -> memref<128xi32, #tpu.memory_space<hbm>>
    %dma_wait3A_46 = tpu.memref_slice %arg5[%add3A_42] : memref<320000xi32, #tpu.memory_space<hbm>> -> memref<128xi32, #tpu.memory_space<hbm>>
    tpu.wait_dma2 semaphore(%arg26 : memref<!tpu.dma_semaphore, #tpu.memory_space<semaphore_mem>>) src(%dma_wait3A_46 : memref<128xi32, #tpu.memory_space<hbm>>) dst(%arg15 : memref<128xi32, #tpu.memory_space<vmem>>)
    %dma_start3A_47 = arith.constant 0 : i32
    %dma_start3A_48 = arith.constant 0 : i32
    %dma_start3A_49 = tpu.memref_slice %arg2[%dma_start3A_47, %dma_start3A_48] : memref<10000x64xf32, #tpu.memory_space<hbm>> -> memref<10000x64xf32, #tpu.memory_space<hbm>>
    tpu.enqueue_indirect_dma source(%dma_start3A_49 : memref<10000x64xf32, #tpu.memory_space<hbm>>) target(%arg18 : memref<128x64xf32, #tpu.memory_space<vmem>>) offsets(%arg12 : memref<128xi32, #tpu.memory_space<vmem>>) semaphore(%arg29 : memref<!tpu.dma_semaphore, #tpu.memory_space<semaphore_mem>>)
    %scan3A = arith.constant 0 : i32
    %scan3A_50 = arith.constant 0 : i32
    %scan3A_51 = arith.constant 25 : i32
    %scan3A_52 = arith.addi %scan3A_50, %scan3A_51 : i32
    %scan3A_53 = arith.constant 1 : i32
    scf.for %scan3A_125 = %scan3A_50 to %scan3A_52 step %scan3A_53  : i32 {
      %dma_wait3A_126 = arith.constant 0 : i32
      %dma_wait3A_127 = arith.constant 0 : i32
      %dma_wait3A_128 = tpu.memref_slice %arg2[%dma_wait3A_126, %dma_wait3A_127] : memref<10000x64xf32, #tpu.memory_space<hbm>> -> memref<10000x64xf32, #tpu.memory_space<hbm>>
      tpu.wait_indirect_dma semaphore(%arg27 : memref<!tpu.dma_semaphore, #tpu.memory_space<semaphore_mem>>) src(%dma_wait3A_128 : memref<10000x64xf32, #tpu.memory_space<hbm>>) dst(%arg16 : memref<128x64xf32, #tpu.memory_space<vmem>>)
      %dma_start3A_129 = arith.constant 0 : i32
      %dma_start3A_130 = arith.constant 0 : i32
      %dma_start3A_131 = tpu.memref_slice %arg3[%dma_start3A_129, %dma_start3A_130] : memref<10000x64xf32, #tpu.memory_space<hbm>> -> memref<10000x64xf32, #tpu.memory_space<hbm>>
      tpu.enqueue_indirect_dma source(%dma_start3A_131 : memref<10000x64xf32, #tpu.memory_space<hbm>>) target(%arg16 : memref<128x64xf32, #tpu.memory_space<vmem>>) offsets(%arg13 : memref<128xi32, #tpu.memory_space<vmem>>) semaphore(%arg30 : memref<!tpu.dma_semaphore, #tpu.memory_space<semaphore_mem>>) {add = true}
      %dma_wait3A_132 = arith.constant 0 : i32
      %dma_wait3A_133 = arith.constant 0 : i32
      %dma_wait3A_134 = tpu.memref_slice %arg2[%dma_wait3A_132, %dma_wait3A_133] : memref<10000x64xf32, #tpu.memory_space<hbm>> -> memref<10000x64xf32, #tpu.memory_space<hbm>>
      tpu.wait_indirect_dma semaphore(%arg28 : memref<!tpu.dma_semaphore, #tpu.memory_space<semaphore_mem>>) src(%dma_wait3A_134 : memref<10000x64xf32, #tpu.memory_space<hbm>>) dst(%arg17 : memref<128x64xf32, #tpu.memory_space<vmem>>)
      %dma_start3A_135 = arith.constant 0 : i32
      %dma_start3A_136 = arith.constant 0 : i32
      %dma_start3A_137 = tpu.memref_slice %arg3[%dma_start3A_135, %dma_start3A_136] : memref<10000x64xf32, #tpu.memory_space<hbm>> -> memref<10000x64xf32, #tpu.memory_space<hbm>>
      tpu.enqueue_indirect_dma source(%dma_start3A_137 : memref<10000x64xf32, #tpu.memory_space<hbm>>) target(%arg17 : memref<128x64xf32, #tpu.memory_space<vmem>>) offsets(%arg14 : memref<128xi32, #tpu.memory_space<vmem>>) semaphore(%arg31 : memref<!tpu.dma_semaphore, #tpu.memory_space<semaphore_mem>>) {add = true}
      %dma_wait3A_138 = arith.constant 0 : i32
      %dma_wait3A_139 = arith.constant 0 : i32
      %dma_wait3A_140 = tpu.memref_slice %arg2[%dma_wait3A_138, %dma_wait3A_139] : memref<10000x64xf32, #tpu.memory_space<hbm>> -> memref<10000x64xf32, #tpu.memory_space<hbm>>
      tpu.wait_indirect_dma semaphore(%arg29 : memref<!tpu.dma_semaphore, #tpu.memory_space<semaphore_mem>>) src(%dma_wait3A_140 : memref<10000x64xf32, #tpu.memory_space<hbm>>) dst(%arg18 : memref<128x64xf32, #tpu.memory_space<vmem>>)
      %dma_start3A_141 = arith.constant 0 : i32
      %dma_start3A_142 = arith.constant 0 : i32
      %dma_start3A_143 = tpu.memref_slice %arg3[%dma_start3A_141, %dma_start3A_142] : memref<10000x64xf32, #tpu.memory_space<hbm>> -> memref<10000x64xf32, #tpu.memory_space<hbm>>
      tpu.enqueue_indirect_dma source(%dma_start3A_143 : memref<10000x64xf32, #tpu.memory_space<hbm>>) target(%arg18 : memref<128x64xf32, #tpu.memory_space<vmem>>) offsets(%arg15 : memref<128xi32, #tpu.memory_space<vmem>>) semaphore(%arg32 : memref<!tpu.dma_semaphore, #tpu.memory_space<semaphore_mem>>) {add = true}
      %mul3A_144 = arith.constant 3 : i32
      %mul3A_145 = arith.muli %mul3A_144, %scan3A_125 : i32
      %add3A_146 = arith.constant 0 : i32
      %add3A_147 = arith.addi %mul3A_145, %add3A_146 : i32
      %mul3A_148 = arith.constant 128 : i32
      %mul3A_149 = arith.muli %add3A_147, %mul3A_148 : i32
      %add3A_150 = arith.addi %mul3A_2, %mul3A_149 : i32
      %dma_wait3A_151 = arith.constant 0 : i32
      %dma_wait3A_152 = arith.constant 0 : i32
      %dma_wait3A_153 = tpu.memref_slice %arg3[%dma_wait3A_151, %dma_wait3A_152] : memref<10000x64xf32, #tpu.memory_space<hbm>> -> memref<10000x64xf32, #tpu.memory_space<hbm>>
      tpu.wait_indirect_dma semaphore(%arg30 : memref<!tpu.dma_semaphore, #tpu.memory_space<semaphore_mem>>) src(%dma_wait3A_153 : memref<10000x64xf32, #tpu.memory_space<hbm>>) dst(%arg16 : memref<128x64xf32, #tpu.memory_space<vmem>>)
      %dma_start3A_154 = arith.constant 0 : i32
      %dma_start3A_155 = tpu.memref_slice %arg8[%add3A_150, %dma_start3A_154] : memref<320000x64xf32, #tpu.memory_space<hbm>> -> memref<128x64xf32, #tpu.memory_space<hbm>>
      %dma_start3A_156 = arith.constant 0 : i32
      %dma_start3A_157 = tpu.memref_slice %arg8[%add3A_150, %dma_start3A_156] : memref<320000x64xf32, #tpu.memory_space<hbm>> -> memref<128x64xf32, #tpu.memory_space<hbm>>
      tpu.enqueue_dma source(%arg16 : memref<128x64xf32, #tpu.memory_space<vmem>>) target(%dma_start3A_157 : memref<128x64xf32, #tpu.memory_space<hbm>>) target_semaphore(%arg33 : memref<!tpu.dma_semaphore, #tpu.memory_space<semaphore_mem>>)
      "tpu.region"() ({
        %run_scoped3A = tpu.sem_alloc : memref<!tpu.dma_semaphore, #tpu.memory_space<semaphore_mem>>
        %dma_start3A_294 = arith.constant 0 : i32
        %dma_start3A_295 = arith.constant 0 : i32
        %dma_start3A_296 = tpu.memref_slice %arg23[%dma_start3A_294, %dma_start3A_295] : memref<10000x16xf32, #tpu.memory_space<vmem_shared>> -> memref<10000x16xf32, #tpu.memory_space<vmem_shared>>
        tpu.enqueue_indirect_dma source(%arg22 : memref<128x16xf32, #tpu.memory_space<vmem>>) target(%dma_start3A_296 : memref<10000x16xf32, #tpu.memory_space<vmem_shared>>) offsets(%arg13 : memref<128xi32, #tpu.memory_space<vmem>>) semaphore(%run_scoped3A : memref<!tpu.dma_semaphore, #tpu.memory_space<semaphore_mem>>) {add = true}
        %dma_wait3A_297 = arith.constant 0 : i32
        %dma_wait3A_298 = arith.constant 0 : i32
        %dma_wait3A_299 = tpu.memref_slice %arg23[%dma_wait3A_297, %dma_wait3A_298] : memref<10000x16xf32, #tpu.memory_space<vmem_shared>> -> memref<10000x16xf32, #tpu.memory_space<vmem_shared>>
        tpu.wait_indirect_dma semaphore(%run_scoped3A : memref<!tpu.dma_semaphore, #tpu.memory_space<semaphore_mem>>) src(%arg22 : memref<128x16xf32, #tpu.memory_space<vmem>>) dst(%dma_wait3A_299 : memref<10000x16xf32, #tpu.memory_space<vmem_shared>>)
        tpu.yield
      }) : () -> ()
      %mul3A_158 = arith.constant 3 : i32
      %mul3A_159 = arith.muli %mul3A_158, %scan3A_125 : i32
      %add3A_160 = arith.constant 1 : i32
      %add3A_161 = arith.addi %mul3A_159, %add3A_160 : i32
      %mul3A_162 = arith.constant 128 : i32
      %mul3A_163 = arith.muli %add3A_161, %mul3A_162 : i32
      %add3A_164 = arith.addi %mul3A_2, %mul3A_163 : i32
      %dma_wait3A_165 = arith.constant 0 : i32
      %dma_wait3A_166 = arith.constant 0 : i32
      %dma_wait3A_167 = tpu.memref_slice %arg3[%dma_wait3A_165, %dma_wait3A_166] : memref<10000x64xf32, #tpu.memory_space<hbm>> -> memref<10000x64xf32, #tpu.memory_space<hbm>>
      tpu.wait_indirect_dma semaphore(%arg31 : memref<!tpu.dma_semaphore, #tpu.memory_space<semaphore_mem>>) src(%dma_wait3A_167 : memref<10000x64xf32, #tpu.memory_space<hbm>>) dst(%arg17 : memref<128x64xf32, #tpu.memory_space<vmem>>)
      %dma_start3A_168 = arith.constant 0 : i32
      %dma_start3A_169 = tpu.memref_slice %arg8[%add3A_164, %dma_start3A_168] : memref<320000x64xf32, #tpu.memory_space<hbm>> -> memref<128x64xf32, #tpu.memory_space<hbm>>
      %dma_start3A_170 = arith.constant 0 : i32
      %dma_start3A_171 = tpu.memref_slice %arg8[%add3A_164, %dma_start3A_170] : memref<320000x64xf32, #tpu.memory_space<hbm>> -> memref<128x64xf32, #tpu.memory_space<hbm>>
      tpu.enqueue_dma source(%arg17 : memref<128x64xf32, #tpu.memory_space<vmem>>) target(%dma_start3A_171 : memref<128x64xf32, #tpu.memory_space<hbm>>) target_semaphore(%arg34 : memref<!tpu.dma_semaphore, #tpu.memory_space<semaphore_mem>>)
      "tpu.region"() ({
        %run_scoped3A = tpu.sem_alloc : memref<!tpu.dma_semaphore, #tpu.memory_space<semaphore_mem>>
        %dma_start3A_294 = arith.constant 0 : i32
        %dma_start3A_295 = arith.constant 0 : i32
        %dma_start3A_296 = tpu.memref_slice %arg23[%dma_start3A_294, %dma_start3A_295] : memref<10000x16xf32, #tpu.memory_space<vmem_shared>> -> memref<10000x16xf32, #tpu.memory_space<vmem_shared>>
        tpu.enqueue_indirect_dma source(%arg22 : memref<128x16xf32, #tpu.memory_space<vmem>>) target(%dma_start3A_296 : memref<10000x16xf32, #tpu.memory_space<vmem_shared>>) offsets(%arg14 : memref<128xi32, #tpu.memory_space<vmem>>) semaphore(%run_scoped3A : memref<!tpu.dma_semaphore, #tpu.memory_space<semaphore_mem>>) {add = true}
        %dma_wait3A_297 = arith.constant 0 : i32
        %dma_wait3A_298 = arith.constant 0 : i32
        %dma_wait3A_299 = tpu.memref_slice %arg23[%dma_wait3A_297, %dma_wait3A_298] : memref<10000x16xf32, #tpu.memory_space<vmem_shared>> -> memref<10000x16xf32, #tpu.memory_space<vmem_shared>>
        tpu.wait_indirect_dma semaphore(%run_scoped3A : memref<!tpu.dma_semaphore, #tpu.memory_space<semaphore_mem>>) src(%arg22 : memref<128x16xf32, #tpu.memory_space<vmem>>) dst(%dma_wait3A_299 : memref<10000x16xf32, #tpu.memory_space<vmem_shared>>)
        tpu.yield
      }) : () -> ()
      %mul3A_172 = arith.constant 3 : i32
      %mul3A_173 = arith.muli %mul3A_172, %scan3A_125 : i32
      %add3A_174 = arith.constant 2 : i32
      %add3A_175 = arith.addi %mul3A_173, %add3A_174 : i32
      %mul3A_176 = arith.constant 128 : i32
      %mul3A_177 = arith.muli %add3A_175, %mul3A_176 : i32
      %add3A_178 = arith.addi %mul3A_2, %mul3A_177 : i32
      %dma_wait3A_179 = arith.constant 0 : i32
      %dma_wait3A_180 = arith.constant 0 : i32
      %dma_wait3A_181 = tpu.memref_slice %arg3[%dma_wait3A_179, %dma_wait3A_180] : memref<10000x64xf32, #tpu.memory_space<hbm>> -> memref<10000x64xf32, #tpu.memory_space<hbm>>
      tpu.wait_indirect_dma semaphore(%arg32 : memref<!tpu.dma_semaphore, #tpu.memory_space<semaphore_mem>>) src(%dma_wait3A_181 : memref<10000x64xf32, #tpu.memory_space<hbm>>) dst(%arg18 : memref<128x64xf32, #tpu.memory_space<vmem>>)
      %dma_start3A_182 = arith.constant 0 : i32
      %dma_start3A_183 = tpu.memref_slice %arg8[%add3A_178, %dma_start3A_182] : memref<320000x64xf32, #tpu.memory_space<hbm>> -> memref<128x64xf32, #tpu.memory_space<hbm>>
      %dma_start3A_184 = arith.constant 0 : i32
      %dma_start3A_185 = tpu.memref_slice %arg8[%add3A_178, %dma_start3A_184] : memref<320000x64xf32, #tpu.memory_space<hbm>> -> memref<128x64xf32, #tpu.memory_space<hbm>>
      tpu.enqueue_dma source(%arg18 : memref<128x64xf32, #tpu.memory_space<vmem>>) target(%dma_start3A_185 : memref<128x64xf32, #tpu.memory_space<hbm>>) target_semaphore(%arg35 : memref<!tpu.dma_semaphore, #tpu.memory_space<semaphore_mem>>)
      "tpu.region"() ({
        %run_scoped3A = tpu.sem_alloc : memref<!tpu.dma_semaphore, #tpu.memory_space<semaphore_mem>>
        %dma_start3A_294 = arith.constant 0 : i32
        %dma_start3A_295 = arith.constant 0 : i32
        %dma_start3A_296 = tpu.memref_slice %arg23[%dma_start3A_294, %dma_start3A_295] : memref<10000x16xf32, #tpu.memory_space<vmem_shared>> -> memref<10000x16xf32, #tpu.memory_space<vmem_shared>>
        tpu.enqueue_indirect_dma source(%arg22 : memref<128x16xf32, #tpu.memory_space<vmem>>) target(%dma_start3A_296 : memref<10000x16xf32, #tpu.memory_space<vmem_shared>>) offsets(%arg15 : memref<128xi32, #tpu.memory_space<vmem>>) semaphore(%run_scoped3A : memref<!tpu.dma_semaphore, #tpu.memory_space<semaphore_mem>>) {add = true}
        %dma_wait3A_297 = arith.constant 0 : i32
        %dma_wait3A_298 = arith.constant 0 : i32
        %dma_wait3A_299 = tpu.memref_slice %arg23[%dma_wait3A_297, %dma_wait3A_298] : memref<10000x16xf32, #tpu.memory_space<vmem_shared>> -> memref<10000x16xf32, #tpu.memory_space<vmem_shared>>
        tpu.wait_indirect_dma semaphore(%run_scoped3A : memref<!tpu.dma_semaphore, #tpu.memory_space<semaphore_mem>>) src(%arg22 : memref<128x16xf32, #tpu.memory_space<vmem>>) dst(%dma_wait3A_299 : memref<10000x16xf32, #tpu.memory_space<vmem_shared>>)
        tpu.yield
      }) : () -> ()
      %mul3A_186 = arith.constant 3 : i32
      %mul3A_187 = arith.muli %mul3A_186, %scan3A_125 : i32
      %add3A_188 = arith.constant 0 : i32
      %add3A_189 = arith.addi %mul3A_187, %add3A_188 : i32
      %mul3A_190 = arith.constant 128 : i32
      %mul3A_191 = arith.muli %add3A_189, %mul3A_190 : i32
      %add3A_192 = arith.addi %mul3A_2, %mul3A_191 : i32
      %add3A_193 = arith.constant 3 : i32
      %add3A_194 = arith.addi %add3A_189, %add3A_193 : i32
      %mul3A_195 = arith.constant 128 : i32
      %mul3A_196 = arith.muli %add3A_194, %mul3A_195 : i32
      %add3A_197 = arith.addi %mul3A_2, %mul3A_196 : i32
      %dma_start3A_198 = tpu.memref_slice %arg4[%add3A_197] : memref<320000xi32, #tpu.memory_space<hbm>> -> memref<128xi32, #tpu.memory_space<hbm>>
      %dma_start3A_199 = tpu.memref_slice %arg4[%add3A_197] : memref<320000xi32, #tpu.memory_space<hbm>> -> memref<128xi32, #tpu.memory_space<hbm>>
      tpu.enqueue_dma source(%dma_start3A_199 : memref<128xi32, #tpu.memory_space<hbm>>) target(%arg10 : memref<128xi32, #tpu.memory_space<vmem>>) target_semaphore(%arg24 : memref<!tpu.dma_semaphore, #tpu.memory_space<semaphore_mem>>)
      %dma_start3A_200 = tpu.memref_slice %arg5[%add3A_197] : memref<320000xi32, #tpu.memory_space<hbm>> -> memref<128xi32, #tpu.memory_space<hbm>>
      %dma_start3A_201 = tpu.memref_slice %arg5[%add3A_197] : memref<320000xi32, #tpu.memory_space<hbm>> -> memref<128xi32, #tpu.memory_space<hbm>>
      tpu.enqueue_dma source(%dma_start3A_201 : memref<128xi32, #tpu.memory_space<hbm>>) target(%arg13 : memref<128xi32, #tpu.memory_space<vmem>>) target_semaphore(%arg24 : memref<!tpu.dma_semaphore, #tpu.memory_space<semaphore_mem>>)
      %dma_wait3A_202 = arith.constant 0 : i32
      %dma_wait3A_203 = tpu.memref_slice %arg8[%add3A_192, %dma_wait3A_202] : memref<320000x64xf32, #tpu.memory_space<hbm>> -> memref<128x64xf32, #tpu.memory_space<hbm>>
      %dma_wait3A_204 = arith.constant 0 : i32
      %dma_wait3A_205 = tpu.memref_slice %arg8[%add3A_192, %dma_wait3A_204] : memref<320000x64xf32, #tpu.memory_space<hbm>> -> memref<128x64xf32, #tpu.memory_space<hbm>>
      tpu.wait_dma2 semaphore(%arg33 : memref<!tpu.dma_semaphore, #tpu.memory_space<semaphore_mem>>) src(%arg16 : memref<128x64xf32, #tpu.memory_space<vmem>>) dst(%dma_wait3A_205 : memref<128x64xf32, #tpu.memory_space<hbm>>)
      %mul3A_206 = arith.constant 3 : i32
      %mul3A_207 = arith.muli %mul3A_206, %scan3A_125 : i32
      %add3A_208 = arith.constant 1 : i32
      %add3A_209 = arith.addi %mul3A_207, %add3A_208 : i32
      %mul3A_210 = arith.constant 128 : i32
      %mul3A_211 = arith.muli %add3A_209, %mul3A_210 : i32
      %add3A_212 = arith.addi %mul3A_2, %mul3A_211 : i32
      %add3A_213 = arith.constant 3 : i32
      %add3A_214 = arith.addi %add3A_209, %add3A_213 : i32
      %mul3A_215 = arith.constant 128 : i32
      %mul3A_216 = arith.muli %add3A_214, %mul3A_215 : i32
      %add3A_217 = arith.addi %mul3A_2, %mul3A_216 : i32
      %dma_start3A_218 = tpu.memref_slice %arg4[%add3A_217] : memref<320000xi32, #tpu.memory_space<hbm>> -> memref<128xi32, #tpu.memory_space<hbm>>
      %dma_start3A_219 = tpu.memref_slice %arg4[%add3A_217] : memref<320000xi32, #tpu.memory_space<hbm>> -> memref<128xi32, #tpu.memory_space<hbm>>
      tpu.enqueue_dma source(%dma_start3A_219 : memref<128xi32, #tpu.memory_space<hbm>>) target(%arg11 : memref<128xi32, #tpu.memory_space<vmem>>) target_semaphore(%arg25 : memref<!tpu.dma_semaphore, #tpu.memory_space<semaphore_mem>>)
      %dma_start3A_220 = tpu.memref_slice %arg5[%add3A_217] : memref<320000xi32, #tpu.memory_space<hbm>> -> memref<128xi32, #tpu.memory_space<hbm>>
      %dma_start3A_221 = tpu.memref_slice %arg5[%add3A_217] : memref<320000xi32, #tpu.memory_space<hbm>> -> memref<128xi32, #tpu.memory_space<hbm>>
      tpu.enqueue_dma source(%dma_start3A_221 : memref<128xi32, #tpu.memory_space<hbm>>) target(%arg14 : memref<128xi32, #tpu.memory_space<vmem>>) target_semaphore(%arg25 : memref<!tpu.dma_semaphore, #tpu.memory_space<semaphore_mem>>)
      %dma_wait3A_222 = arith.constant 0 : i32
      %dma_wait3A_223 = tpu.memref_slice %arg8[%add3A_212, %dma_wait3A_222] : memref<320000x64xf32, #tpu.memory_space<hbm>> -> memref<128x64xf32, #tpu.memory_space<hbm>>
      %dma_wait3A_224 = arith.constant 0 : i32
      %dma_wait3A_225 = tpu.memref_slice %arg8[%add3A_212, %dma_wait3A_224] : memref<320000x64xf32, #tpu.memory_space<hbm>> -> memref<128x64xf32, #tpu.memory_space<hbm>>
      tpu.wait_dma2 semaphore(%arg34 : memref<!tpu.dma_semaphore, #tpu.memory_space<semaphore_mem>>) src(%arg17 : memref<128x64xf32, #tpu.memory_space<vmem>>) dst(%dma_wait3A_225 : memref<128x64xf32, #tpu.memory_space<hbm>>)
      %mul3A_226 = arith.constant 3 : i32
      %mul3A_227 = arith.muli %mul3A_226, %scan3A_125 : i32
      %add3A_228 = arith.constant 2 : i32
      %add3A_229 = arith.addi %mul3A_227, %add3A_228 : i32
      %mul3A_230 = arith.constant 128 : i32
      %mul3A_231 = arith.muli %add3A_229, %mul3A_230 : i32
      %add3A_232 = arith.addi %mul3A_2, %mul3A_231 : i32
      %add3A_233 = arith.constant 3 : i32
      %add3A_234 = arith.addi %add3A_229, %add3A_233 : i32
      %mul3A_235 = arith.constant 128 : i32
      %mul3A_236 = arith.muli %add3A_234, %mul3A_235 : i32
      %add3A_237 = arith.addi %mul3A_2, %mul3A_236 : i32
      %dma_start3A_238 = tpu.memref_slice %arg4[%add3A_237] : memref<320000xi32, #tpu.memory_space<hbm>> -> memref<128xi32, #tpu.memory_space<hbm>>
      %dma_start3A_239 = tpu.memref_slice %arg4[%add3A_237] : memref<320000xi32, #tpu.memory_space<hbm>> -> memref<128xi32, #tpu.memory_space<hbm>>
      tpu.enqueue_dma source(%dma_start3A_239 : memref<128xi32, #tpu.memory_space<hbm>>) target(%arg12 : memref<128xi32, #tpu.memory_space<vmem>>) target_semaphore(%arg26 : memref<!tpu.dma_semaphore, #tpu.memory_space<semaphore_mem>>)
      %dma_start3A_240 = tpu.memref_slice %arg5[%add3A_237] : memref<320000xi32, #tpu.memory_space<hbm>> -> memref<128xi32, #tpu.memory_space<hbm>>
      %dma_start3A_241 = tpu.memref_slice %arg5[%add3A_237] : memref<320000xi32, #tpu.memory_space<hbm>> -> memref<128xi32, #tpu.memory_space<hbm>>
      tpu.enqueue_dma source(%dma_start3A_241 : memref<128xi32, #tpu.memory_space<hbm>>) target(%arg15 : memref<128xi32, #tpu.memory_space<vmem>>) target_semaphore(%arg26 : memref<!tpu.dma_semaphore, #tpu.memory_space<semaphore_mem>>)
      %dma_wait3A_242 = arith.constant 0 : i32
      %dma_wait3A_243 = tpu.memref_slice %arg8[%add3A_232, %dma_wait3A_242] : memref<320000x64xf32, #tpu.memory_space<hbm>> -> memref<128x64xf32, #tpu.memory_space<hbm>>
      %dma_wait3A_244 = arith.constant 0 : i32
      %dma_wait3A_245 = tpu.memref_slice %arg8[%add3A_232, %dma_wait3A_244] : memref<320000x64xf32, #tpu.memory_space<hbm>> -> memref<128x64xf32, #tpu.memory_space<hbm>>
      tpu.wait_dma2 semaphore(%arg35 : memref<!tpu.dma_semaphore, #tpu.memory_space<semaphore_mem>>) src(%arg18 : memref<128x64xf32, #tpu.memory_space<vmem>>) dst(%dma_wait3A_245 : memref<128x64xf32, #tpu.memory_space<hbm>>)
      %mul3A_246 = arith.constant 3 : i32
      %mul3A_247 = arith.muli %mul3A_246, %scan3A_125 : i32
      %add3A_248 = arith.constant 0 : i32
      %add3A_249 = arith.addi %mul3A_247, %add3A_248 : i32
      %add3A_250 = arith.constant 3 : i32
      %add3A_251 = arith.addi %add3A_249, %add3A_250 : i32
      %mul3A_252 = arith.constant 128 : i32
      %mul3A_253 = arith.muli %add3A_251, %mul3A_252 : i32
      %add3A_254 = arith.addi %mul3A_2, %mul3A_253 : i32
      %dma_wait3A_255 = tpu.memref_slice %arg4[%add3A_254] : memref<320000xi32, #tpu.memory_space<hbm>> -> memref<128xi32, #tpu.memory_space<hbm>>
      %dma_wait3A_256 = tpu.memref_slice %arg4[%add3A_254] : memref<320000xi32, #tpu.memory_space<hbm>> -> memref<128xi32, #tpu.memory_space<hbm>>
      tpu.wait_dma2 semaphore(%arg24 : memref<!tpu.dma_semaphore, #tpu.memory_space<semaphore_mem>>) src(%dma_wait3A_256 : memref<128xi32, #tpu.memory_space<hbm>>) dst(%arg10 : memref<128xi32, #tpu.memory_space<vmem>>)
      %dma_wait3A_257 = tpu.memref_slice %arg5[%add3A_254] : memref<320000xi32, #tpu.memory_space<hbm>> -> memref<128xi32, #tpu.memory_space<hbm>>
      %dma_wait3A_258 = tpu.memref_slice %arg5[%add3A_254] : memref<320000xi32, #tpu.memory_space<hbm>> -> memref<128xi32, #tpu.memory_space<hbm>>
      tpu.wait_dma2 semaphore(%arg24 : memref<!tpu.dma_semaphore, #tpu.memory_space<semaphore_mem>>) src(%dma_wait3A_258 : memref<128xi32, #tpu.memory_space<hbm>>) dst(%arg13 : memref<128xi32, #tpu.memory_space<vmem>>)
      %dma_start3A_259 = arith.constant 0 : i32
      %dma_start3A_260 = arith.constant 0 : i32
      %dma_start3A_261 = tpu.memref_slice %arg2[%dma_start3A_259, %dma_start3A_260] : memref<10000x64xf32, #tpu.memory_space<hbm>> -> memref<10000x64xf32, #tpu.memory_space<hbm>>
      tpu.enqueue_indirect_dma source(%dma_start3A_261 : memref<10000x64xf32, #tpu.memory_space<hbm>>) target(%arg16 : memref<128x64xf32, #tpu.memory_space<vmem>>) offsets(%arg10 : memref<128xi32, #tpu.memory_space<vmem>>) semaphore(%arg27 : memref<!tpu.dma_semaphore, #tpu.memory_space<semaphore_mem>>)
      %mul3A_262 = arith.constant 3 : i32
      %mul3A_263 = arith.muli %mul3A_262, %scan3A_125 : i32
      %add3A_264 = arith.constant 1 : i32
      %add3A_265 = arith.addi %mul3A_263, %add3A_264 : i32
      %add3A_266 = arith.constant 3 : i32
      %add3A_267 = arith.addi %add3A_265, %add3A_266 : i32
      %mul3A_268 = arith.constant 128 : i32
      %mul3A_269 = arith.muli %add3A_267, %mul3A_268 : i32
      %add3A_270 = arith.addi %mul3A_2, %mul3A_269 : i32
      %dma_wait3A_271 = tpu.memref_slice %arg4[%add3A_270] : memref<320000xi32, #tpu.memory_space<hbm>> -> memref<128xi32, #tpu.memory_space<hbm>>
      %dma_wait3A_272 = tpu.memref_slice %arg4[%add3A_270] : memref<320000xi32, #tpu.memory_space<hbm>> -> memref<128xi32, #tpu.memory_space<hbm>>
      tpu.wait_dma2 semaphore(%arg25 : memref<!tpu.dma_semaphore, #tpu.memory_space<semaphore_mem>>) src(%dma_wait3A_272 : memref<128xi32, #tpu.memory_space<hbm>>) dst(%arg11 : memref<128xi32, #tpu.memory_space<vmem>>)
      %dma_wait3A_273 = tpu.memref_slice %arg5[%add3A_270] : memref<320000xi32, #tpu.memory_space<hbm>> -> memref<128xi32, #tpu.memory_space<hbm>>
      %dma_wait3A_274 = tpu.memref_slice %arg5[%add3A_270] : memref<320000xi32, #tpu.memory_space<hbm>> -> memref<128xi32, #tpu.memory_space<hbm>>
      tpu.wait_dma2 semaphore(%arg25 : memref<!tpu.dma_semaphore, #tpu.memory_space<semaphore_mem>>) src(%dma_wait3A_274 : memref<128xi32, #tpu.memory_space<hbm>>) dst(%arg14 : memref<128xi32, #tpu.memory_space<vmem>>)
      %dma_start3A_275 = arith.constant 0 : i32
      %dma_start3A_276 = arith.constant 0 : i32
      %dma_start3A_277 = tpu.memref_slice %arg2[%dma_start3A_275, %dma_start3A_276] : memref<10000x64xf32, #tpu.memory_space<hbm>> -> memref<10000x64xf32, #tpu.memory_space<hbm>>
      tpu.enqueue_indirect_dma source(%dma_start3A_277 : memref<10000x64xf32, #tpu.memory_space<hbm>>) target(%arg17 : memref<128x64xf32, #tpu.memory_space<vmem>>) offsets(%arg11 : memref<128xi32, #tpu.memory_space<vmem>>) semaphore(%arg28 : memref<!tpu.dma_semaphore, #tpu.memory_space<semaphore_mem>>)
      %mul3A_278 = arith.constant 3 : i32
      %mul3A_279 = arith.muli %mul3A_278, %scan3A_125 : i32
      %add3A_280 = arith.constant 2 : i32
      %add3A_281 = arith.addi %mul3A_279, %add3A_280 : i32
      %add3A_282 = arith.constant 3 : i32
      %add3A_283 = arith.addi %add3A_281, %add3A_282 : i32
      %mul3A_284 = arith.constant 128 : i32
      %mul3A_285 = arith.muli %add3A_283, %mul3A_284 : i32
      %add3A_286 = arith.addi %mul3A_2, %mul3A_285 : i32
      %dma_wait3A_287 = tpu.memref_slice %arg4[%add3A_286] : memref<320000xi32, #tpu.memory_space<hbm>> -> memref<128xi32, #tpu.memory_space<hbm>>
      %dma_wait3A_288 = tpu.memref_slice %arg4[%add3A_286] : memref<320000xi32, #tpu.memory_space<hbm>> -> memref<128xi32, #tpu.memory_space<hbm>>
      tpu.wait_dma2 semaphore(%arg26 : memref<!tpu.dma_semaphore, #tpu.memory_space<semaphore_mem>>) src(%dma_wait3A_288 : memref<128xi32, #tpu.memory_space<hbm>>) dst(%arg12 : memref<128xi32, #tpu.memory_space<vmem>>)
      %dma_wait3A_289 = tpu.memref_slice %arg5[%add3A_286] : memref<320000xi32, #tpu.memory_space<hbm>> -> memref<128xi32, #tpu.memory_space<hbm>>
      %dma_wait3A_290 = tpu.memref_slice %arg5[%add3A_286] : memref<320000xi32, #tpu.memory_space<hbm>> -> memref<128xi32, #tpu.memory_space<hbm>>
      tpu.wait_dma2 semaphore(%arg26 : memref<!tpu.dma_semaphore, #tpu.memory_space<semaphore_mem>>) src(%dma_wait3A_290 : memref<128xi32, #tpu.memory_space<hbm>>) dst(%arg15 : memref<128xi32, #tpu.memory_space<vmem>>)
      %dma_start3A_291 = arith.constant 0 : i32
      %dma_start3A_292 = arith.constant 0 : i32
      %dma_start3A_293 = tpu.memref_slice %arg2[%dma_start3A_291, %dma_start3A_292] : memref<10000x64xf32, #tpu.memory_space<hbm>> -> memref<10000x64xf32, #tpu.memory_space<hbm>>
      tpu.enqueue_indirect_dma source(%dma_start3A_293 : memref<10000x64xf32, #tpu.memory_space<hbm>>) target(%arg18 : memref<128x64xf32, #tpu.memory_space<vmem>>) offsets(%arg12 : memref<128xi32, #tpu.memory_space<vmem>>) semaphore(%arg29 : memref<!tpu.dma_semaphore, #tpu.memory_space<semaphore_mem>>)
    }
    %scan3A_54 = arith.constant 25 : i32
    %dma_wait3A_55 = arith.constant 0 : i32
    %dma_wait3A_56 = arith.constant 0 : i32
    %dma_wait3A_57 = tpu.memref_slice %arg2[%dma_wait3A_55, %dma_wait3A_56] : memref<10000x64xf32, #tpu.memory_space<hbm>> -> memref<10000x64xf32, #tpu.memory_space<hbm>>
    tpu.wait_indirect_dma semaphore(%arg27 : memref<!tpu.dma_semaphore, #tpu.memory_space<semaphore_mem>>) src(%dma_wait3A_57 : memref<10000x64xf32, #tpu.memory_space<hbm>>) dst(%arg16 : memref<128x64xf32, #tpu.memory_space<vmem>>)
    %dma_start3A_58 = arith.constant 0 : i32
    %dma_start3A_59 = arith.constant 0 : i32
    %dma_start3A_60 = tpu.memref_slice %arg3[%dma_start3A_58, %dma_start3A_59] : memref<10000x64xf32, #tpu.memory_space<hbm>> -> memref<10000x64xf32, #tpu.memory_space<hbm>>
    tpu.enqueue_indirect_dma source(%dma_start3A_60 : memref<10000x64xf32, #tpu.memory_space<hbm>>) target(%arg16 : memref<128x64xf32, #tpu.memory_space<vmem>>) offsets(%arg13 : memref<128xi32, #tpu.memory_space<vmem>>) semaphore(%arg30 : memref<!tpu.dma_semaphore, #tpu.memory_space<semaphore_mem>>) {add = true}
    %dma_wait3A_61 = arith.constant 0 : i32
    %dma_wait3A_62 = arith.constant 0 : i32
    %dma_wait3A_63 = tpu.memref_slice %arg2[%dma_wait3A_61, %dma_wait3A_62] : memref<10000x64xf32, #tpu.memory_space<hbm>> -> memref<10000x64xf32, #tpu.memory_space<hbm>>
    tpu.wait_indirect_dma semaphore(%arg28 : memref<!tpu.dma_semaphore, #tpu.memory_space<semaphore_mem>>) src(%dma_wait3A_63 : memref<10000x64xf32, #tpu.memory_space<hbm>>) dst(%arg17 : memref<128x64xf32, #tpu.memory_space<vmem>>)
    %dma_start3A_64 = arith.constant 0 : i32
    %dma_start3A_65 = arith.constant 0 : i32
    %dma_start3A_66 = tpu.memref_slice %arg3[%dma_start3A_64, %dma_start3A_65] : memref<10000x64xf32, #tpu.memory_space<hbm>> -> memref<10000x64xf32, #tpu.memory_space<hbm>>
    tpu.enqueue_indirect_dma source(%dma_start3A_66 : memref<10000x64xf32, #tpu.memory_space<hbm>>) target(%arg17 : memref<128x64xf32, #tpu.memory_space<vmem>>) offsets(%arg14 : memref<128xi32, #tpu.memory_space<vmem>>) semaphore(%arg31 : memref<!tpu.dma_semaphore, #tpu.memory_space<semaphore_mem>>) {add = true}
    %dma_wait3A_67 = arith.constant 0 : i32
    %dma_wait3A_68 = arith.constant 0 : i32
    %dma_wait3A_69 = tpu.memref_slice %arg2[%dma_wait3A_67, %dma_wait3A_68] : memref<10000x64xf32, #tpu.memory_space<hbm>> -> memref<10000x64xf32, #tpu.memory_space<hbm>>
    tpu.wait_indirect_dma semaphore(%arg29 : memref<!tpu.dma_semaphore, #tpu.memory_space<semaphore_mem>>) src(%dma_wait3A_69 : memref<10000x64xf32, #tpu.memory_space<hbm>>) dst(%arg18 : memref<128x64xf32, #tpu.memory_space<vmem>>)
    %dma_start3A_70 = arith.constant 0 : i32
    %dma_start3A_71 = arith.constant 0 : i32
    %dma_start3A_72 = tpu.memref_slice %arg3[%dma_start3A_70, %dma_start3A_71] : memref<10000x64xf32, #tpu.memory_space<hbm>> -> memref<10000x64xf32, #tpu.memory_space<hbm>>
    tpu.enqueue_indirect_dma source(%dma_start3A_72 : memref<10000x64xf32, #tpu.memory_space<hbm>>) target(%arg18 : memref<128x64xf32, #tpu.memory_space<vmem>>) offsets(%arg15 : memref<128xi32, #tpu.memory_space<vmem>>) semaphore(%arg32 : memref<!tpu.dma_semaphore, #tpu.memory_space<semaphore_mem>>) {add = true}
    %add3A_73 = arith.constant 9600 : i32
    %add3A_74 = arith.addi %mul3A_2, %add3A_73 : i32
    %dma_wait3A_75 = arith.constant 0 : i32
    %dma_wait3A_76 = arith.constant 0 : i32
    %dma_wait3A_77 = tpu.memref_slice %arg3[%dma_wait3A_75, %dma_wait3A_76] : memref<10000x64xf32, #tpu.memory_space<hbm>> -> memref<10000x64xf32, #tpu.memory_space<hbm>>
    tpu.wait_indirect_dma semaphore(%arg30 : memref<!tpu.dma_semaphore, #tpu.memory_space<semaphore_mem>>) src(%dma_wait3A_77 : memref<10000x64xf32, #tpu.memory_space<hbm>>) dst(%arg16 : memref<128x64xf32, #tpu.memory_space<vmem>>)
    %dma_start3A_78 = arith.constant 0 : i32
    %dma_start3A_79 = tpu.memref_slice %arg8[%add3A_74, %dma_start3A_78] : memref<320000x64xf32, #tpu.memory_space<hbm>> -> memref<128x64xf32, #tpu.memory_space<hbm>>
    %dma_start3A_80 = arith.constant 0 : i32
    %dma_start3A_81 = tpu.memref_slice %arg8[%add3A_74, %dma_start3A_80] : memref<320000x64xf32, #tpu.memory_space<hbm>> -> memref<128x64xf32, #tpu.memory_space<hbm>>
    tpu.enqueue_dma source(%arg16 : memref<128x64xf32, #tpu.memory_space<vmem>>) target(%dma_start3A_81 : memref<128x64xf32, #tpu.memory_space<hbm>>) target_semaphore(%arg33 : memref<!tpu.dma_semaphore, #tpu.memory_space<semaphore_mem>>)
    "tpu.region"() ({
      %run_scoped3A = tpu.sem_alloc : memref<!tpu.dma_semaphore, #tpu.memory_space<semaphore_mem>>
      %dma_start3A_125 = arith.constant 0 : i32
      %dma_start3A_126 = arith.constant 0 : i32
      %dma_start3A_127 = tpu.memref_slice %arg23[%dma_start3A_125, %dma_start3A_126] : memref<10000x16xf32, #tpu.memory_space<vmem_shared>> -> memref<10000x16xf32, #tpu.memory_space<vmem_shared>>
      tpu.enqueue_indirect_dma source(%arg22 : memref<128x16xf32, #tpu.memory_space<vmem>>) target(%dma_start3A_127 : memref<10000x16xf32, #tpu.memory_space<vmem_shared>>) offsets(%arg13 : memref<128xi32, #tpu.memory_space<vmem>>) semaphore(%run_scoped3A : memref<!tpu.dma_semaphore, #tpu.memory_space<semaphore_mem>>) {add = true}
      %dma_wait3A_128 = arith.constant 0 : i32
      %dma_wait3A_129 = arith.constant 0 : i32
      %dma_wait3A_130 = tpu.memref_slice %arg23[%dma_wait3A_128, %dma_wait3A_129] : memref<10000x16xf32, #tpu.memory_space<vmem_shared>> -> memref<10000x16xf32, #tpu.memory_space<vmem_shared>>
      tpu.wait_indirect_dma semaphore(%run_scoped3A : memref<!tpu.dma_semaphore, #tpu.memory_space<semaphore_mem>>) src(%arg22 : memref<128x16xf32, #tpu.memory_space<vmem>>) dst(%dma_wait3A_130 : memref<10000x16xf32, #tpu.memory_space<vmem_shared>>)
      tpu.yield
    }) : () -> ()
    %add3A_82 = arith.constant 9728 : i32
    %add3A_83 = arith.addi %mul3A_2, %add3A_82 : i32
    %dma_wait3A_84 = arith.constant 0 : i32
    %dma_wait3A_85 = arith.constant 0 : i32
    %dma_wait3A_86 = tpu.memref_slice %arg3[%dma_wait3A_84, %dma_wait3A_85] : memref<10000x64xf32, #tpu.memory_space<hbm>> -> memref<10000x64xf32, #tpu.memory_space<hbm>>
    tpu.wait_indirect_dma semaphore(%arg31 : memref<!tpu.dma_semaphore, #tpu.memory_space<semaphore_mem>>) src(%dma_wait3A_86 : memref<10000x64xf32, #tpu.memory_space<hbm>>) dst(%arg17 : memref<128x64xf32, #tpu.memory_space<vmem>>)
    %dma_start3A_87 = arith.constant 0 : i32
    %dma_start3A_88 = tpu.memref_slice %arg8[%add3A_83, %dma_start3A_87] : memref<320000x64xf32, #tpu.memory_space<hbm>> -> memref<128x64xf32, #tpu.memory_space<hbm>>
    %dma_start3A_89 = arith.constant 0 : i32
    %dma_start3A_90 = tpu.memref_slice %arg8[%add3A_83, %dma_start3A_89] : memref<320000x64xf32, #tpu.memory_space<hbm>> -> memref<128x64xf32, #tpu.memory_space<hbm>>
    tpu.enqueue_dma source(%arg17 : memref<128x64xf32, #tpu.memory_space<vmem>>) target(%dma_start3A_90 : memref<128x64xf32, #tpu.memory_space<hbm>>) target_semaphore(%arg34 : memref<!tpu.dma_semaphore, #tpu.memory_space<semaphore_mem>>)
    "tpu.region"() ({
      %run_scoped3A = tpu.sem_alloc : memref<!tpu.dma_semaphore, #tpu.memory_space<semaphore_mem>>
      %dma_start3A_125 = arith.constant 0 : i32
      %dma_start3A_126 = arith.constant 0 : i32
      %dma_start3A_127 = tpu.memref_slice %arg23[%dma_start3A_125, %dma_start3A_126] : memref<10000x16xf32, #tpu.memory_space<vmem_shared>> -> memref<10000x16xf32, #tpu.memory_space<vmem_shared>>
      tpu.enqueue_indirect_dma source(%arg22 : memref<128x16xf32, #tpu.memory_space<vmem>>) target(%dma_start3A_127 : memref<10000x16xf32, #tpu.memory_space<vmem_shared>>) offsets(%arg14 : memref<128xi32, #tpu.memory_space<vmem>>) semaphore(%run_scoped3A : memref<!tpu.dma_semaphore, #tpu.memory_space<semaphore_mem>>) {add = true}
      %dma_wait3A_128 = arith.constant 0 : i32
      %dma_wait3A_129 = arith.constant 0 : i32
      %dma_wait3A_130 = tpu.memref_slice %arg23[%dma_wait3A_128, %dma_wait3A_129] : memref<10000x16xf32, #tpu.memory_space<vmem_shared>> -> memref<10000x16xf32, #tpu.memory_space<vmem_shared>>
      tpu.wait_indirect_dma semaphore(%run_scoped3A : memref<!tpu.dma_semaphore, #tpu.memory_space<semaphore_mem>>) src(%arg22 : memref<128x16xf32, #tpu.memory_space<vmem>>) dst(%dma_wait3A_130 : memref<10000x16xf32, #tpu.memory_space<vmem_shared>>)
      tpu.yield
    }) : () -> ()
    %add3A_91 = arith.constant 9856 : i32
    %add3A_92 = arith.addi %mul3A_2, %add3A_91 : i32
    %dma_wait3A_93 = arith.constant 0 : i32
    %dma_wait3A_94 = arith.constant 0 : i32
    %dma_wait3A_95 = tpu.memref_slice %arg3[%dma_wait3A_93, %dma_wait3A_94] : memref<10000x64xf32, #tpu.memory_space<hbm>> -> memref<10000x64xf32, #tpu.memory_space<hbm>>
    tpu.wait_indirect_dma semaphore(%arg32 : memref<!tpu.dma_semaphore, #tpu.memory_space<semaphore_mem>>) src(%dma_wait3A_95 : memref<10000x64xf32, #tpu.memory_space<hbm>>) dst(%arg18 : memref<128x64xf32, #tpu.memory_space<vmem>>)
    %dma_start3A_96 = arith.constant 0 : i32
    %dma_start3A_97 = tpu.memref_slice %arg8[%add3A_92, %dma_start3A_96] : memref<320000x64xf32, #tpu.memory_space<hbm>> -> memref<128x64xf32, #tpu.memory_space<hbm>>
    %dma_start3A_98 = arith.constant 0 : i32
    %dma_start3A_99 = tpu.memref_slice %arg8[%add3A_92, %dma_start3A_98] : memref<320000x64xf32, #tpu.memory_space<hbm>> -> memref<128x64xf32, #tpu.memory_space<hbm>>
    tpu.enqueue_dma source(%arg18 : memref<128x64xf32, #tpu.memory_space<vmem>>) target(%dma_start3A_99 : memref<128x64xf32, #tpu.memory_space<hbm>>) target_semaphore(%arg35 : memref<!tpu.dma_semaphore, #tpu.memory_space<semaphore_mem>>)
    "tpu.region"() ({
      %run_scoped3A = tpu.sem_alloc : memref<!tpu.dma_semaphore, #tpu.memory_space<semaphore_mem>>
      %dma_start3A_125 = arith.constant 0 : i32
      %dma_start3A_126 = arith.constant 0 : i32
      %dma_start3A_127 = tpu.memref_slice %arg23[%dma_start3A_125, %dma_start3A_126] : memref<10000x16xf32, #tpu.memory_space<vmem_shared>> -> memref<10000x16xf32, #tpu.memory_space<vmem_shared>>
      tpu.enqueue_indirect_dma source(%arg22 : memref<128x16xf32, #tpu.memory_space<vmem>>) target(%dma_start3A_127 : memref<10000x16xf32, #tpu.memory_space<vmem_shared>>) offsets(%arg15 : memref<128xi32, #tpu.memory_space<vmem>>) semaphore(%run_scoped3A : memref<!tpu.dma_semaphore, #tpu.memory_space<semaphore_mem>>) {add = true}
      %dma_wait3A_128 = arith.constant 0 : i32
      %dma_wait3A_129 = arith.constant 0 : i32
      %dma_wait3A_130 = tpu.memref_slice %arg23[%dma_wait3A_128, %dma_wait3A_129] : memref<10000x16xf32, #tpu.memory_space<vmem_shared>> -> memref<10000x16xf32, #tpu.memory_space<vmem_shared>>
      tpu.wait_indirect_dma semaphore(%run_scoped3A : memref<!tpu.dma_semaphore, #tpu.memory_space<semaphore_mem>>) src(%arg22 : memref<128x16xf32, #tpu.memory_space<vmem>>) dst(%dma_wait3A_130 : memref<10000x16xf32, #tpu.memory_space<vmem_shared>>)
      tpu.yield
    }) : () -> ()
    %add3A_100 = arith.constant 9984 : i32
    %add3A_101 = arith.addi %mul3A_2, %add3A_100 : i32
    "tpu.region"() ({
      %run_scoped3A = tpu.sem_alloc : memref<!tpu.dma_semaphore, #tpu.memory_space<semaphore_mem>>
      %dma_start3A_125 = tpu.memref_slice %arg4[%add3A_101] : memref<320000xi32, #tpu.memory_space<hbm>> -> memref<16xi32, #tpu.memory_space<hbm>>
      %dma_start3A_126 = tpu.memref_slice %arg4[%add3A_101] : memref<320000xi32, #tpu.memory_space<hbm>> -> memref<16xi32, #tpu.memory_space<hbm>>
      tpu.enqueue_dma source(%dma_start3A_126 : memref<16xi32, #tpu.memory_space<hbm>>) target(%arg19 : memref<16xi32, #tpu.memory_space<vmem>>) target_semaphore(%run_scoped3A : memref<!tpu.dma_semaphore, #tpu.memory_space<semaphore_mem>>)
      %dma_wait3A_127 = tpu.memref_slice %arg4[%add3A_101] : memref<320000xi32, #tpu.memory_space<hbm>> -> memref<16xi32, #tpu.memory_space<hbm>>
      %dma_wait3A_128 = tpu.memref_slice %arg4[%add3A_101] : memref<320000xi32, #tpu.memory_space<hbm>> -> memref<16xi32, #tpu.memory_space<hbm>>
      tpu.wait_dma2 semaphore(%run_scoped3A : memref<!tpu.dma_semaphore, #tpu.memory_space<semaphore_mem>>) src(%dma_wait3A_128 : memref<16xi32, #tpu.memory_space<hbm>>) dst(%arg19 : memref<16xi32, #tpu.memory_space<vmem>>)
      tpu.yield
    }) : () -> ()
    "tpu.region"() ({
      %run_scoped3A = tpu.sem_alloc : memref<!tpu.dma_semaphore, #tpu.memory_space<semaphore_mem>>
      %dma_start3A_125 = tpu.memref_slice %arg5[%add3A_101] : memref<320000xi32, #tpu.memory_space<hbm>> -> memref<16xi32, #tpu.memory_space<hbm>>
      %dma_start3A_126 = tpu.memref_slice %arg5[%add3A_101] : memref<320000xi32, #tpu.memory_space<hbm>> -> memref<16xi32, #tpu.memory_space<hbm>>
      tpu.enqueue_dma source(%dma_start3A_126 : memref<16xi32, #tpu.memory_space<hbm>>) target(%arg20 : memref<16xi32, #tpu.memory_space<vmem>>) target_semaphore(%run_scoped3A : memref<!tpu.dma_semaphore, #tpu.memory_space<semaphore_mem>>)
      %dma_wait3A_127 = tpu.memref_slice %arg5[%add3A_101] : memref<320000xi32, #tpu.memory_space<hbm>> -> memref<16xi32, #tpu.memory_space<hbm>>
      %dma_wait3A_128 = tpu.memref_slice %arg5[%add3A_101] : memref<320000xi32, #tpu.memory_space<hbm>> -> memref<16xi32, #tpu.memory_space<hbm>>
      tpu.wait_dma2 semaphore(%run_scoped3A : memref<!tpu.dma_semaphore, #tpu.memory_space<semaphore_mem>>) src(%dma_wait3A_128 : memref<16xi32, #tpu.memory_space<hbm>>) dst(%arg20 : memref<16xi32, #tpu.memory_space<vmem>>)
      tpu.yield
    }) : () -> ()
    "tpu.region"() ({
      %run_scoped3A = tpu.sem_alloc : memref<!tpu.dma_semaphore, #tpu.memory_space<semaphore_mem>>
      %dma_start3A_125 = arith.constant 0 : i32
      %dma_start3A_126 = arith.constant 0 : i32
      %dma_start3A_127 = tpu.memref_slice %arg2[%dma_start3A_125, %dma_start3A_126] : memref<10000x64xf32, #tpu.memory_space<hbm>> -> memref<10000x64xf32, #tpu.memory_space<hbm>>
      tpu.enqueue_indirect_dma source(%dma_start3A_127 : memref<10000x64xf32, #tpu.memory_space<hbm>>) target(%arg21 : memref<16x64xf32, #tpu.memory_space<vmem>>) offsets(%arg19 : memref<16xi32, #tpu.memory_space<vmem>>) semaphore(%run_scoped3A : memref<!tpu.dma_semaphore, #tpu.memory_space<semaphore_mem>>)
      %dma_wait3A_128 = arith.constant 0 : i32
      %dma_wait3A_129 = arith.constant 0 : i32
      %dma_wait3A_130 = tpu.memref_slice %arg2[%dma_wait3A_128, %dma_wait3A_129] : memref<10000x64xf32, #tpu.memory_space<hbm>> -> memref<10000x64xf32, #tpu.memory_space<hbm>>
      tpu.wait_indirect_dma semaphore(%run_scoped3A : memref<!tpu.dma_semaphore, #tpu.memory_space<semaphore_mem>>) src(%dma_wait3A_130 : memref<10000x64xf32, #tpu.memory_space<hbm>>) dst(%arg21 : memref<16x64xf32, #tpu.memory_space<vmem>>)
      tpu.yield
    }) : () -> ()
    "tpu.region"() ({
      %run_scoped3A = tpu.sem_alloc : memref<!tpu.dma_semaphore, #tpu.memory_space<semaphore_mem>>
      %dma_start3A_125 = arith.constant 0 : i32
      %dma_start3A_126 = arith.constant 0 : i32
      %dma_start3A_127 = tpu.memref_slice %arg3[%dma_start3A_125, %dma_start3A_126] : memref<10000x64xf32, #tpu.memory_space<hbm>> -> memref<10000x64xf32, #tpu.memory_space<hbm>>
      tpu.enqueue_indirect_dma source(%dma_start3A_127 : memref<10000x64xf32, #tpu.memory_space<hbm>>) target(%arg21 : memref<16x64xf32, #tpu.memory_space<vmem>>) offsets(%arg20 : memref<16xi32, #tpu.memory_space<vmem>>) semaphore(%run_scoped3A : memref<!tpu.dma_semaphore, #tpu.memory_space<semaphore_mem>>) {add = true}
      %dma_wait3A_128 = arith.constant 0 : i32
      %dma_wait3A_129 = arith.constant 0 : i32
      %dma_wait3A_130 = tpu.memref_slice %arg3[%dma_wait3A_128, %dma_wait3A_129] : memref<10000x64xf32, #tpu.memory_space<hbm>> -> memref<10000x64xf32, #tpu.memory_space<hbm>>
      tpu.wait_indirect_dma semaphore(%run_scoped3A : memref<!tpu.dma_semaphore, #tpu.memory_space<semaphore_mem>>) src(%dma_wait3A_130 : memref<10000x64xf32, #tpu.memory_space<hbm>>) dst(%arg21 : memref<16x64xf32, #tpu.memory_space<vmem>>)
      tpu.yield
    }) : () -> ()
    "tpu.region"() ({
      %run_scoped3A = tpu.sem_alloc : memref<!tpu.dma_semaphore, #tpu.memory_space<semaphore_mem>>
      %dma_start3A_125 = arith.constant 0 : i32
      %dma_start3A_126 = tpu.memref_slice %arg8[%add3A_101, %dma_start3A_125] : memref<320000x64xf32, #tpu.memory_space<hbm>> -> memref<16x64xf32, #tpu.memory_space<hbm>>
      %dma_start3A_127 = arith.constant 0 : i32
      %dma_start3A_128 = tpu.memref_slice %arg8[%add3A_101, %dma_start3A_127] : memref<320000x64xf32, #tpu.memory_space<hbm>> -> memref<16x64xf32, #tpu.memory_space<hbm>>
      tpu.enqueue_dma source(%arg21 : memref<16x64xf32, #tpu.memory_space<vmem>>) target(%dma_start3A_128 : memref<16x64xf32, #tpu.memory_space<hbm>>) target_semaphore(%run_scoped3A : memref<!tpu.dma_semaphore, #tpu.memory_space<semaphore_mem>>)
      %dma_wait3A_129 = arith.constant 0 : i32
      %dma_wait3A_130 = tpu.memref_slice %arg8[%add3A_101, %dma_wait3A_129] : memref<320000x64xf32, #tpu.memory_space<hbm>> -> memref<16x64xf32, #tpu.memory_space<hbm>>
      %dma_wait3A_131 = arith.constant 0 : i32
      %dma_wait3A_132 = tpu.memref_slice %arg8[%add3A_101, %dma_wait3A_131] : memref<320000x64xf32, #tpu.memory_space<hbm>> -> memref<16x64xf32, #tpu.memory_space<hbm>>
      tpu.wait_dma2 semaphore(%run_scoped3A : memref<!tpu.dma_semaphore, #tpu.memory_space<semaphore_mem>>) src(%arg21 : memref<16x64xf32, #tpu.memory_space<vmem>>) dst(%dma_wait3A_132 : memref<16x64xf32, #tpu.memory_space<hbm>>)
      tpu.yield
    }) : () -> ()
    "tpu.region"() ({
      %run_scoped3A = tpu.sem_alloc : memref<!tpu.dma_semaphore, #tpu.memory_space<semaphore_mem>>
      %dma_start3A_125 = arith.constant 0 : i32
      %dma_start3A_126 = arith.constant 0 : i32
      %dma_start3A_127 = tpu.memref_slice %arg22[%dma_start3A_125, %dma_start3A_126] : memref<128x16xf32, #tpu.memory_space<vmem>> -> memref<16x16xf32, #tpu.memory_space<vmem>>
      %dma_start3A_128 = arith.constant 0 : i32
      %dma_start3A_129 = arith.constant 0 : i32
      %dma_start3A_130 = tpu.memref_slice %arg23[%dma_start3A_128, %dma_start3A_129] : memref<10000x16xf32, #tpu.memory_space<vmem_shared>> -> memref<10000x16xf32, #tpu.memory_space<vmem_shared>>
      tpu.enqueue_indirect_dma source(%dma_start3A_127 : memref<16x16xf32, #tpu.memory_space<vmem>>) target(%dma_start3A_130 : memref<10000x16xf32, #tpu.memory_space<vmem_shared>>) offsets(%arg20 : memref<16xi32, #tpu.memory_space<vmem>>) semaphore(%run_scoped3A : memref<!tpu.dma_semaphore, #tpu.memory_space<semaphore_mem>>) {add = true}
      %dma_wait3A_131 = arith.constant 0 : i32
      %dma_wait3A_132 = arith.constant 0 : i32
      %dma_wait3A_133 = tpu.memref_slice %arg22[%dma_wait3A_131, %dma_wait3A_132] : memref<128x16xf32, #tpu.memory_space<vmem>> -> memref<16x16xf32, #tpu.memory_space<vmem>>
      %dma_wait3A_134 = arith.constant 0 : i32
      %dma_wait3A_135 = arith.constant 0 : i32
      %dma_wait3A_136 = tpu.memref_slice %arg23[%dma_wait3A_134, %dma_wait3A_135] : memref<10000x16xf32, #tpu.memory_space<vmem_shared>> -> memref<10000x16xf32, #tpu.memory_space<vmem_shared>>
      tpu.wait_indirect_dma semaphore(%run_scoped3A : memref<!tpu.dma_semaphore, #tpu.memory_space<semaphore_mem>>) src(%dma_wait3A_133 : memref<16x16xf32, #tpu.memory_space<vmem>>) dst(%dma_wait3A_136 : memref<10000x16xf32, #tpu.memory_space<vmem_shared>>)
      tpu.yield
    }) : () -> ()
    %add3A_102 = arith.constant 9600 : i32
    %add3A_103 = arith.addi %mul3A_2, %add3A_102 : i32
    %dma_wait3A_104 = arith.constant 0 : i32
    %dma_wait3A_105 = tpu.memref_slice %arg8[%add3A_103, %dma_wait3A_104] : memref<320000x64xf32, #tpu.memory_space<hbm>> -> memref<128x64xf32, #tpu.memory_space<hbm>>
    %dma_wait3A_106 = arith.constant 0 : i32
    %dma_wait3A_107 = tpu.memref_slice %arg8[%add3A_103, %dma_wait3A_106] : memref<320000x64xf32, #tpu.memory_space<hbm>> -> memref<128x64xf32, #tpu.memory_space<hbm>>
    tpu.wait_dma2 semaphore(%arg33 : memref<!tpu.dma_semaphore, #tpu.memory_space<semaphore_mem>>) src(%arg16 : memref<128x64xf32, #tpu.memory_space<vmem>>) dst(%dma_wait3A_107 : memref<128x64xf32, #tpu.memory_space<hbm>>)
    %add3A_108 = arith.constant 9728 : i32
    %add3A_109 = arith.addi %mul3A_2, %add3A_108 : i32
    %dma_wait3A_110 = arith.constant 0 : i32
    %dma_wait3A_111 = tpu.memref_slice %arg8[%add3A_109, %dma_wait3A_110] : memref<320000x64xf32, #tpu.memory_space<hbm>> -> memref<128x64xf32, #tpu.memory_space<hbm>>
    %dma_wait3A_112 = arith.constant 0 : i32
    %dma_wait3A_113 = tpu.memref_slice %arg8[%add3A_109, %dma_wait3A_112] : memref<320000x64xf32, #tpu.memory_space<hbm>> -> memref<128x64xf32, #tpu.memory_space<hbm>>
    tpu.wait_dma2 semaphore(%arg34 : memref<!tpu.dma_semaphore, #tpu.memory_space<semaphore_mem>>) src(%arg17 : memref<128x64xf32, #tpu.memory_space<vmem>>) dst(%dma_wait3A_113 : memref<128x64xf32, #tpu.memory_space<hbm>>)
    %add3A_114 = arith.constant 9856 : i32
    %add3A_115 = arith.addi %mul3A_2, %add3A_114 : i32
    %dma_wait3A_116 = arith.constant 0 : i32
    %dma_wait3A_117 = tpu.memref_slice %arg8[%add3A_115, %dma_wait3A_116] : memref<320000x64xf32, #tpu.memory_space<hbm>> -> memref<128x64xf32, #tpu.memory_space<hbm>>
    %dma_wait3A_118 = arith.constant 0 : i32
    %dma_wait3A_119 = tpu.memref_slice %arg8[%add3A_115, %dma_wait3A_118] : memref<320000x64xf32, #tpu.memory_space<hbm>> -> memref<128x64xf32, #tpu.memory_space<hbm>>
    tpu.wait_dma2 semaphore(%arg35 : memref<!tpu.dma_semaphore, #tpu.memory_space<semaphore_mem>>) src(%arg18 : memref<128x64xf32, #tpu.memory_space<vmem>>) dst(%dma_wait3A_119 : memref<128x64xf32, #tpu.memory_space<hbm>>)
    %barrier3A_120 = arith.constant 0 : index
    tpu.barrier barrier_id(%barrier3A_120)
    %mul3A_121 = arith.constant 625 : i32
    %mul3A_122 = arith.muli %arg1, %mul3A_121 : i32
    %mul3A_123 = arith.constant 625 : i32
    %mul3A_124 = arith.muli %arg1, %mul3A_123 : i32
    "tpu.region"() ({
      %run_scoped3A = tpu.sem_alloc : memref<!tpu.dma_semaphore, #tpu.memory_space<semaphore_mem>>
      %dma_start3A_125 = arith.constant 0 : i32
      %dma_start3A_126 = tpu.memref_slice %arg9[%arg0, %mul3A_124, %dma_start3A_125] : memref<2x10000x16xf32, #tpu.memory_space<hbm>> -> memref<1x625x16xf32, #tpu.memory_space<hbm>>
      %dma_start3A_127 = tpu.memref_squeeze %dma_start3A_126 : memref<1x625x16xf32, #tpu.memory_space<hbm>> -> memref<625x16xf32, #tpu.memory_space<hbm>>
      %dma_start3A_128 = arith.constant 0 : i32
      %dma_start3A_129 = tpu.memref_slice %arg23[%mul3A_122, %dma_start3A_128] : memref<10000x16xf32, #tpu.memory_space<vmem_shared>> -> memref<625x16xf32, #tpu.memory_space<vmem_shared>>
      tpu.enqueue_dma source(%dma_start3A_129 : memref<625x16xf32, #tpu.memory_space<vmem_shared>>) target(%dma_start3A_127 : memref<625x16xf32, #tpu.memory_space<hbm>>) target_semaphore(%run_scoped3A : memref<!tpu.dma_semaphore, #tpu.memory_space<semaphore_mem>>)
      %dma_wait3A_130 = arith.constant 0 : i32
      %dma_wait3A_131 = tpu.memref_slice %arg9[%arg0, %mul3A_124, %dma_wait3A_130] : memref<2x10000x16xf32, #tpu.memory_space<hbm>> -> memref<1x625x16xf32, #tpu.memory_space<hbm>>
      %dma_wait3A_132 = tpu.memref_squeeze %dma_wait3A_131 : memref<1x625x16xf32, #tpu.memory_space<hbm>> -> memref<625x16xf32, #tpu.memory_space<hbm>>
      %dma_wait3A_133 = arith.constant 0 : i32
      %dma_wait3A_134 = tpu.memref_slice %arg23[%mul3A_122, %dma_wait3A_133] : memref<10000x16xf32, #tpu.memory_space<vmem_shared>> -> memref<625x16xf32, #tpu.memory_space<vmem_shared>>
      tpu.wait_dma2 semaphore(%run_scoped3A : memref<!tpu.dma_semaphore, #tpu.memory_space<semaphore_mem>>) src(%dma_wait3A_134 : memref<625x16xf32, #tpu.memory_space<vmem_shared>>) dst(%dma_wait3A_132 : memref<625x16xf32, #tpu.memory_space<hbm>>)
      tpu.yield
    }) : () -> ()
    return
  }
}

module attributes {stable_mosaic.version = 14 : i64} {
  func.func @body(%arg0: i32, %arg1: memref<1000x128xf32, #tpu.memory_space<vmem>>, %arg2: memref<128x128xf32, #tpu.memory_space<vmem>>, %arg3: memref<1000x64xf32, #tpu.memory_space<vmem>>, %arg4: memref<1000x64xf32, #tpu.memory_space<vmem>>) attributes {dimension_semantics = [#tpu.dimension_semantics<arbitrary>], iteration_bounds = array<i64: 10>, scalar_prefetch = 0 : i64, scratch_operands = 0 : i64, tpu.core_type = #tpu.core_type<tc>, window_params = [{transform_indices = @transform_0, window_bounds = array<i64: 1000, 128>}, {pipeline_mode = #tpu.pipeline_mode<synchronous>, transform_indices = @transform_1, window_bounds = array<i64: 128, 128>}, {transform_indices = @transform_2, window_bounds = array<i64: 1000, 64>}, {transform_indices = @transform_3, window_bounds = array<i64: 1000, 64>}]} {
    %get3A = arith.constant 0 : index
    %get3A_0 = arith.constant 0 : index
    %get3A_1 = vector.load %arg1[%get3A, %get3A_0] : memref<1000x128xf32, #tpu.memory_space<vmem>>, vector<1000x128xf32>
    %get3A_2 = arith.constant 0 : index
    %get3A_3 = arith.constant 0 : index
    %get3A_4 = vector.load %arg2[%get3A_2, %get3A_3] : memref<128x128xf32, #tpu.memory_space<vmem>>, vector<128x128xf32>
    %dot_general3A = arith.constant dense<0.000000e+00> : vector<1000x128xf32>
    %dot_general3A_5 = tpu.matmul %get3A_1, %get3A_4, %dot_general3A {dimension_numbers = #tpu.dot_dimension_numbers<[1], [0], [0], [1], [0, 0, 1, 1], [], []>, transpose_lhs_hint = false} : vector<1000x128xf32>, vector<128x128xf32>, vector<1000x128xf32> -> vector<1000x128xf32>
    %slice3A = vector.extract_strided_slice %dot_general3A_5 {offsets = [0, 0], sizes = [1000, 64], strides = [1, 1]} : vector<1000x128xf32> to vector<1000x64xf32>
    %swap3A = arith.constant 0 : index
    %swap3A_6 = arith.constant 0 : index
    %swap3A_7 = vector.load %arg3[%swap3A, %swap3A_6] : memref<1000x64xf32, #tpu.memory_space<vmem>>, vector<1000x64xf32>
    tpu.vector_store %arg3[%swap3A, %swap3A_6], %slice3A {strides = array<i32>} : memref<1000x64xf32, #tpu.memory_space<vmem>>, vector<1000x64xf32>,
    %slice3A_8 = vector.extract_strided_slice %dot_general3A_5 {offsets = [0, 64], sizes = [1000, 64], strides = [1, 1]} : vector<1000x128xf32> to vector<1000x64xf32>
    %swap3A_9 = arith.constant 0 : index
    %swap3A_10 = arith.constant 0 : index
    %swap3A_11 = vector.load %arg4[%swap3A_9, %swap3A_10] : memref<1000x64xf32, #tpu.memory_space<vmem>>, vector<1000x64xf32>
    tpu.vector_store %arg4[%swap3A_9, %swap3A_10], %slice3A_8 {strides = array<i32>} : memref<1000x64xf32, #tpu.memory_space<vmem>>, vector<1000x64xf32>,
    return
  }
  func.func @transform_0(%arg0: i32) -> (i32, i32) {
    %c0_i32 = arith.constant 0 : i32
    %c0_i32_0 = arith.constant 0 : i32
    return %arg0, %c0_i32 : i32, i32
  }
  func.func @transform_1(%arg0: i32) -> (i32, i32) {
    %c0_i32 = arith.constant 0 : i32
    %c0_i32_0 = arith.constant 0 : i32
    %c0_i32_1 = arith.constant 0 : i32
    return %c0_i32, %c0_i32_0 : i32, i32
  }
  func.func @transform_2(%arg0: i32) -> (i32, i32) {
    %c0_i32 = arith.constant 0 : i32
    %c0_i32_0 = arith.constant 0 : i32
    return %arg0, %c0_i32 : i32, i32
  }
  func.func @transform_3(%arg0: i32) -> (i32, i32) {
    %c0_i32 = arith.constant 0 : i32
    %c0_i32_0 = arith.constant 0 : i32
    return %arg0, %c0_i32 : i32, i32
  }
}

module attributes {stable_mosaic.version = 14 : i64} {
  func.func @body(%arg0: i32, %arg1: memref<1600x128xf32, #tpu.memory_space<vmem>>, %arg2: memref<1600x32xf32, #tpu.memory_space<vmem>>, %arg3: memref<32x128xf32, #tpu.memory_space<vmem>>, %arg4: memref<1x128xf32, #tpu.memory_space<vmem>>, %arg5: memref<128x32xf32, #tpu.memory_space<vmem>>, %arg6: memref<1x32xf32, #tpu.memory_space<vmem>>, %arg7: memref<32x32xf32, #tpu.memory_space<vmem>>, %arg8: memref<1x32xf32, #tpu.memory_space<vmem>>, %arg9: memref<1x32xf32, #tpu.memory_space<vmem>>, %arg10: memref<1600x32xf32, #tpu.memory_space<vmem>>, %arg11: memref<1600x32xf32, #tpu.memory_space<vmem>>) attributes {dimension_semantics = [#tpu.dimension_semantics<arbitrary>], iteration_bounds = array<i64: 100>, scalar_prefetch = 0 : i64, scratch_operands = 0 : i64, tpu.core_type = #tpu.core_type<tc>, window_params = [{transform_indices = @transform_0, window_bounds = array<i64: 1600, 128>}, {transform_indices = @transform_1, window_bounds = array<i64: 1600, 32>}, {pipeline_mode = #tpu.pipeline_mode<synchronous>, transform_indices = @transform_2, window_bounds = array<i64: 32, 128>}, {pipeline_mode = #tpu.pipeline_mode<synchronous>, transform_indices = @transform_3, window_bounds = array<i64: 1, 128>}, {pipeline_mode = #tpu.pipeline_mode<synchronous>, transform_indices = @transform_4, window_bounds = array<i64: 128, 32>}, {pipeline_mode = #tpu.pipeline_mode<synchronous>, transform_indices = @transform_5, window_bounds = array<i64: 1, 32>}, {pipeline_mode = #tpu.pipeline_mode<synchronous>, transform_indices = @transform_6, window_bounds = array<i64: 32, 32>}, {pipeline_mode = #tpu.pipeline_mode<synchronous>, transform_indices = @transform_7, window_bounds = array<i64: 1, 32>}, {pipeline_mode = #tpu.pipeline_mode<synchronous>, transform_indices = @transform_8, window_bounds = array<i64: 1, 32>}, {transform_indices = @transform_9, window_bounds = array<i64: 1600, 32>}, {transform_indices = @transform_10, window_bounds = array<i64: 1600, 32>}]} {
    %get3A = arith.constant 0 : index
    %get3A_0 = arith.constant 0 : index
    %get3A_1 = vector.load %arg2[%get3A, %get3A_0] : memref<1600x32xf32, #tpu.memory_space<vmem>>, vector<1600x32xf32>
    %get3A_2 = arith.constant 0 : index
    %get3A_3 = arith.constant 0 : index
    %get3A_4 = vector.load %arg1[%get3A_2, %get3A_3] : memref<1600x128xf32, #tpu.memory_space<vmem>>, vector<1600x128xf32>
    %get3A_5 = arith.constant 0 : index
    %get3A_6 = arith.constant 0 : index
    %get3A_7 = vector.load %arg3[%get3A_5, %get3A_6] : memref<32x128xf32, #tpu.memory_space<vmem>>, vector<32x128xf32>
    %dot_general3A = arith.constant dense<0.000000e+00> : vector<1600x128xf32>
    %dot_general3A_8 = tpu.matmul %get3A_1, %get3A_7, %dot_general3A {dimension_numbers = #tpu.dot_dimension_numbers<[1], [0], [0], [1], [0, 0, 1, 1], [], []>, transpose_lhs_hint = false} : vector<1600x32xf32>, vector<32x128xf32>, vector<1600x128xf32> -> vector<1600x128xf32>
    %add3A = arith.addf %get3A_4, %dot_general3A_8 : vector<1600x128xf32>
    %get3A_9 = arith.constant 0 : index
    %get3A_10 = arith.constant 0 : index
    %get3A_11 = vector.load %arg4[%get3A_9, %get3A_10] : memref<1x128xf32, #tpu.memory_space<vmem>>, vector<1x128xf32>
    %add3A_12 = vector.broadcast %get3A_11 : vector<1x128xf32> to vector<1600x128xf32>
    %add3A_13 = arith.addf %add3A, %add3A_12 : vector<1600x128xf32>
    %max3A = arith.constant 0.000000e+00 : f32
    %max3A_14 = vector.broadcast %max3A : f32 to vector<1600x128xf32>
    %max3A_15 = arith.maximumf %add3A_13, %max3A_14 : vector<1600x128xf32>
    %get3A_16 = arith.constant 0 : index
    %get3A_17 = arith.constant 0 : index
    %get3A_18 = vector.load %arg5[%get3A_16, %get3A_17] : memref<128x32xf32, #tpu.memory_space<vmem>>, vector<128x32xf32>
    %dot_general3A_19 = arith.constant dense<0.000000e+00> : vector<1600x32xf32>
    %dot_general3A_20 = tpu.matmul %max3A_15, %get3A_18, %dot_general3A_19 {dimension_numbers = #tpu.dot_dimension_numbers<[1], [0], [0], [1], [0, 0, 1, 1], [], []>, transpose_lhs_hint = false} : vector<1600x128xf32>, vector<128x32xf32>, vector<1600x32xf32> -> vector<1600x32xf32>
    %get3A_21 = arith.constant 0 : index
    %get3A_22 = arith.constant 0 : index
    %get3A_23 = vector.load %arg6[%get3A_21, %get3A_22] : memref<1x32xf32, #tpu.memory_space<vmem>>, vector<1x32xf32>
    %add3A_24 = vector.broadcast %get3A_23 : vector<1x32xf32> to vector<1600x32xf32>
    %add3A_25 = arith.addf %dot_general3A_20, %add3A_24 : vector<1600x32xf32>
    %add3A_26 = arith.addf %add3A_25, %get3A_1 : vector<1600x32xf32>
    %swap3A = arith.constant 0 : index
    %swap3A_27 = arith.constant 0 : index
    %swap3A_28 = vector.load %arg10[%swap3A, %swap3A_27] : memref<1600x32xf32, #tpu.memory_space<vmem>>, vector<1600x32xf32>
    tpu.vector_store %arg10[%swap3A, %swap3A_27], %add3A_26 {strides = array<i32>} : memref<1600x32xf32, #tpu.memory_space<vmem>>, vector<1600x32xf32>,
    %get3A_29 = arith.constant 0 : index
    %get3A_30 = arith.constant 0 : index
    %get3A_31 = vector.load %arg7[%get3A_29, %get3A_30] : memref<32x32xf32, #tpu.memory_space<vmem>>, vector<32x32xf32>
    %dot_general3A_32 = arith.constant dense<0.000000e+00> : vector<1600x32xf32>
    %dot_general3A_33 = tpu.matmul %add3A_26, %get3A_31, %dot_general3A_32 {dimension_numbers = #tpu.dot_dimension_numbers<[1], [0], [0], [1], [0, 0, 1, 1], [], []>, transpose_lhs_hint = false} : vector<1600x32xf32>, vector<32x32xf32>, vector<1600x32xf32> -> vector<1600x32xf32>
    %mul3A = arith.mulf %add3A_26, %add3A_26 : vector<1600x32xf32>
    %get3A_34 = arith.constant 0 : index
    %get3A_35 = arith.constant 0 : index
    %get3A_36 = vector.load %arg7[%get3A_34, %get3A_35] : memref<32x32xf32, #tpu.memory_space<vmem>>, vector<32x32xf32>
    %dot_general3A_37 = arith.constant dense<0.000000e+00> : vector<1600x32xf32>
    %dot_general3A_38 = tpu.matmul %mul3A, %get3A_36, %dot_general3A_37 {dimension_numbers = #tpu.dot_dimension_numbers<[1], [0], [0], [1], [0, 0, 1, 1], [], []>, transpose_lhs_hint = false} : vector<1600x32xf32>, vector<32x32xf32>, vector<1600x32xf32> -> vector<1600x32xf32>
    %mul3A_39 = arith.mulf %dot_general3A_33, %dot_general3A_33 : vector<1600x32xf32>
    %sub3A = arith.subf %dot_general3A_38, %mul3A_39 : vector<1600x32xf32>
    %sub3A_40 = arith.subf %add3A_26, %dot_general3A_33 : vector<1600x32xf32>
    %add3A_41 = arith.constant 9.99999974E-6 : f32
    %add3A_42 = vector.broadcast %add3A_41 : f32 to vector<1600x32xf32>
    %add3A_43 = arith.addf %sub3A, %add3A_42 : vector<1600x32xf32>
    %rsqrt3A = math.rsqrt %add3A_43 : vector<1600x32xf32>
    %mul3A_44 = arith.mulf %sub3A_40, %rsqrt3A : vector<1600x32xf32>
    %get3A_45 = arith.constant 0 : index
    %get3A_46 = arith.constant 0 : index
    %get3A_47 = vector.load %arg8[%get3A_45, %get3A_46] : memref<1x32xf32, #tpu.memory_space<vmem>>, vector<1x32xf32>
    %mul3A_48 = vector.broadcast %get3A_47 : vector<1x32xf32> to vector<1600x32xf32>
    %mul3A_49 = arith.mulf %mul3A_44, %mul3A_48 : vector<1600x32xf32>
    %get3A_50 = arith.constant 0 : index
    %get3A_51 = arith.constant 0 : index
    %get3A_52 = vector.load %arg9[%get3A_50, %get3A_51] : memref<1x32xf32, #tpu.memory_space<vmem>>, vector<1x32xf32>
    %add3A_53 = vector.broadcast %get3A_52 : vector<1x32xf32> to vector<1600x32xf32>
    %add3A_54 = arith.addf %mul3A_49, %add3A_53 : vector<1600x32xf32>
    %swap3A_55 = arith.constant 0 : index
    %swap3A_56 = arith.constant 0 : index
    %swap3A_57 = vector.load %arg11[%swap3A_55, %swap3A_56] : memref<1600x32xf32, #tpu.memory_space<vmem>>, vector<1600x32xf32>
    tpu.vector_store %arg11[%swap3A_55, %swap3A_56], %add3A_54 {strides = array<i32>} : memref<1600x32xf32, #tpu.memory_space<vmem>>, vector<1600x32xf32>,
    return
  }
  func.func @transform_0(%arg0: i32) -> (i32, i32) {
    %c0_i32 = arith.constant 0 : i32
    %c0_i32_0 = arith.constant 0 : i32
    return %arg0, %c0_i32 : i32, i32
  }
  func.func @transform_1(%arg0: i32) -> (i32, i32) {
    %c0_i32 = arith.constant 0 : i32
    %c0_i32_0 = arith.constant 0 : i32
    return %arg0, %c0_i32 : i32, i32
  }
  func.func @transform_2(%arg0: i32) -> (i32, i32) {
    %c0_i32 = arith.constant 0 : i32
    %c0_i32_0 = arith.constant 0 : i32
    %c0_i32_1 = arith.constant 0 : i32
    return %c0_i32, %c0_i32_0 : i32, i32
  }
  func.func @transform_3(%arg0: i32) -> (i32, i32) {
    %c0_i32 = arith.constant 0 : i32
    %c0_i32_0 = arith.constant 0 : i32
    %c0_i32_1 = arith.constant 0 : i32
    return %c0_i32, %c0_i32_0 : i32, i32
  }
  func.func @transform_4(%arg0: i32) -> (i32, i32) {
    %c0_i32 = arith.constant 0 : i32
    %c0_i32_0 = arith.constant 0 : i32
    %c0_i32_1 = arith.constant 0 : i32
    return %c0_i32, %c0_i32_0 : i32, i32
  }
  func.func @transform_5(%arg0: i32) -> (i32, i32) {
    %c0_i32 = arith.constant 0 : i32
    %c0_i32_0 = arith.constant 0 : i32
    %c0_i32_1 = arith.constant 0 : i32
    return %c0_i32, %c0_i32_0 : i32, i32
  }
  func.func @transform_6(%arg0: i32) -> (i32, i32) {
    %c0_i32 = arith.constant 0 : i32
    %c0_i32_0 = arith.constant 0 : i32
    %c0_i32_1 = arith.constant 0 : i32
    return %c0_i32, %c0_i32_0 : i32, i32
  }
  func.func @transform_7(%arg0: i32) -> (i32, i32) {
    %c0_i32 = arith.constant 0 : i32
    %c0_i32_0 = arith.constant 0 : i32
    %c0_i32_1 = arith.constant 0 : i32
    return %c0_i32, %c0_i32_0 : i32, i32
  }
  func.func @transform_8(%arg0: i32) -> (i32, i32) {
    %c0_i32 = arith.constant 0 : i32
    %c0_i32_0 = arith.constant 0 : i32
    %c0_i32_1 = arith.constant 0 : i32
    return %c0_i32, %c0_i32_0 : i32, i32
  }
  func.func @transform_9(%arg0: i32) -> (i32, i32) {
    %c0_i32 = arith.constant 0 : i32
    %c0_i32_0 = arith.constant 0 : i32
    return %arg0, %c0_i32 : i32, i32
  }
  func.func @transform_10(%arg0: i32) -> (i32, i32) {
    %c0_i32 = arith.constant 0 : i32
    %c0_i32_0 = arith.constant 0 : i32
    return %arg0, %c0_i32 : i32, i32
  }
}

module attributes {stable_mosaic.version = 14 : i64} {
  func.func @body(%arg0: i32, %arg1: memref<2000x128xf32, #tpu.memory_space<vmem>>, %arg2: memref<2x2000x16xf32, #tpu.memory_space<vmem>>, %arg3: memref<2x2000x16xf32, #tpu.memory_space<vmem>>, %arg4: memref<128x64xf32, #tpu.memory_space<vmem>>, %arg5: memref<16x64xf32, #tpu.memory_space<vmem>>, %arg6: memref<1x64xf32, #tpu.memory_space<vmem>>, %arg7: memref<64x128xf32, #tpu.memory_space<vmem>>, %arg8: memref<1x128xf32, #tpu.memory_space<vmem>>, %arg9: memref<1x128xf32, #tpu.memory_space<vmem>>, %arg10: memref<1x128xf32, #tpu.memory_space<vmem>>, %arg11: memref<2000x128xf32, #tpu.memory_space<vmem>>) attributes {dimension_semantics = [#tpu.dimension_semantics<arbitrary>], iteration_bounds = array<i64: 5>, scalar_prefetch = 0 : i64, scratch_operands = 0 : i64, tpu.core_type = #tpu.core_type<tc>, window_params = [{transform_indices = @transform_0, window_bounds = array<i64: 2000, 128>}, {transform_indices = @transform_1, window_bounds = array<i64: 2, 2000, 16>}, {transform_indices = @transform_2, window_bounds = array<i64: 2, 2000, 16>}, {pipeline_mode = #tpu.pipeline_mode<synchronous>, transform_indices = @transform_3, window_bounds = array<i64: 128, 64>}, {pipeline_mode = #tpu.pipeline_mode<synchronous>, transform_indices = @transform_4, window_bounds = array<i64: 16, 64>}, {pipeline_mode = #tpu.pipeline_mode<synchronous>, transform_indices = @transform_5, window_bounds = array<i64: 1, 64>}, {pipeline_mode = #tpu.pipeline_mode<synchronous>, transform_indices = @transform_6, window_bounds = array<i64: 64, 128>}, {pipeline_mode = #tpu.pipeline_mode<synchronous>, transform_indices = @transform_7, window_bounds = array<i64: 1, 128>}, {pipeline_mode = #tpu.pipeline_mode<synchronous>, transform_indices = @transform_8, window_bounds = array<i64: 1, 128>}, {pipeline_mode = #tpu.pipeline_mode<synchronous>, transform_indices = @transform_9, window_bounds = array<i64: 1, 128>}, {transform_indices = @transform_10, window_bounds = array<i64: 2000, 128>}]} {
    %get3A = arith.constant 0 : index
    %get3A_0 = arith.constant 0 : index
    %get3A_1 = vector.load %arg1[%get3A, %get3A_0] : memref<2000x128xf32, #tpu.memory_space<vmem>>, vector<2000x128xf32>
    %get3A_2 = arith.constant 0 : index
    %get3A_3 = arith.constant 0 : index
    %get3A_4 = arith.constant 0 : index
    %get3A_5 = vector.load %arg2[%get3A_2, %get3A_3, %get3A_4] : memref<2x2000x16xf32, #tpu.memory_space<vmem>>, vector<1x2000x16xf32>
    %get3A_6 = vector.shape_cast %get3A_5 : vector<1x2000x16xf32> to vector<2000x16xf32>
    %get3A_7 = arith.constant 1 : index
    %get3A_8 = arith.constant 0 : index
    %get3A_9 = arith.constant 0 : index
    %get3A_10 = vector.load %arg2[%get3A_7, %get3A_8, %get3A_9] : memref<2x2000x16xf32, #tpu.memory_space<vmem>>, vector<1x2000x16xf32>
    %get3A_11 = vector.shape_cast %get3A_10 : vector<1x2000x16xf32> to vector<2000x16xf32>
    %add3A = arith.addf %get3A_6, %get3A_11 : vector<2000x16xf32>
    %get3A_12 = arith.constant 0 : index
    %get3A_13 = arith.constant 0 : index
    %get3A_14 = arith.constant 0 : index
    %get3A_15 = vector.load %arg3[%get3A_12, %get3A_13, %get3A_14] : memref<2x2000x16xf32, #tpu.memory_space<vmem>>, vector<1x2000x1xf32>
    %get3A_16 = vector.shape_cast %get3A_15 : vector<1x2000x1xf32> to vector<2000x1xf32>
    %get3A_17 = arith.constant 1 : index
    %get3A_18 = arith.constant 0 : index
    %get3A_19 = arith.constant 0 : index
    %get3A_20 = vector.load %arg3[%get3A_17, %get3A_18, %get3A_19] : memref<2x2000x16xf32, #tpu.memory_space<vmem>>, vector<1x2000x1xf32>
    %get3A_21 = vector.shape_cast %get3A_20 : vector<1x2000x1xf32> to vector<2000x1xf32>
    %add3A_22 = arith.addf %get3A_16, %get3A_21 : vector<2000x1xf32>
    %max3A = arith.constant 1.000000e+00 : f32
    %max3A_23 = vector.broadcast %max3A : f32 to vector<2000x1xf32>
    %max3A_24 = arith.maximumf %add3A_22, %max3A_23 : vector<2000x1xf32>
    %div3A = vector.broadcast %max3A_24 : vector<2000x1xf32> to vector<2000x16xf32>
    %div3A_25 = arith.divf %add3A, %div3A : vector<2000x16xf32>
    %get3A_26 = arith.constant 0 : index
    %get3A_27 = arith.constant 0 : index
    %get3A_28 = vector.load %arg4[%get3A_26, %get3A_27] : memref<128x64xf32, #tpu.memory_space<vmem>>, vector<128x64xf32>
    %dot_general3A = arith.constant dense<0.000000e+00> : vector<2000x64xf32>
    %dot_general3A_29 = tpu.matmul %get3A_1, %get3A_28, %dot_general3A {dimension_numbers = #tpu.dot_dimension_numbers<[1], [0], [0], [1], [0, 0, 1, 1], [], []>, transpose_lhs_hint = false} : vector<2000x128xf32>, vector<128x64xf32>, vector<2000x64xf32> -> vector<2000x64xf32>
    %get3A_30 = arith.constant 0 : index
    %get3A_31 = arith.constant 0 : index
    %get3A_32 = vector.load %arg5[%get3A_30, %get3A_31] : memref<16x64xf32, #tpu.memory_space<vmem>>, vector<16x64xf32>
    %dot_general3A_33 = arith.constant dense<0.000000e+00> : vector<2000x64xf32>
    %dot_general3A_34 = tpu.matmul %div3A_25, %get3A_32, %dot_general3A_33 {dimension_numbers = #tpu.dot_dimension_numbers<[1], [0], [0], [1], [0, 0, 1, 1], [], []>, transpose_lhs_hint = false} : vector<2000x16xf32>, vector<16x64xf32>, vector<2000x64xf32> -> vector<2000x64xf32>
    %add3A_35 = arith.addf %dot_general3A_29, %dot_general3A_34 : vector<2000x64xf32>
    %get3A_36 = arith.constant 0 : index
    %get3A_37 = arith.constant 0 : index
    %get3A_38 = vector.load %arg6[%get3A_36, %get3A_37] : memref<1x64xf32, #tpu.memory_space<vmem>>, vector<1x64xf32>
    %add3A_39 = vector.broadcast %get3A_38 : vector<1x64xf32> to vector<2000x64xf32>
    %add3A_40 = arith.addf %add3A_35, %add3A_39 : vector<2000x64xf32>
    %max3A_41 = arith.constant 0.000000e+00 : f32
    %max3A_42 = vector.broadcast %max3A_41 : f32 to vector<2000x64xf32>
    %max3A_43 = arith.maximumf %add3A_40, %max3A_42 : vector<2000x64xf32>
    %get3A_44 = arith.constant 0 : index
    %get3A_45 = arith.constant 0 : index
    %get3A_46 = vector.load %arg7[%get3A_44, %get3A_45] : memref<64x128xf32, #tpu.memory_space<vmem>>, vector<64x128xf32>
    %dot_general3A_47 = arith.constant dense<0.000000e+00> : vector<2000x128xf32>
    %dot_general3A_48 = tpu.matmul %max3A_43, %get3A_46, %dot_general3A_47 {dimension_numbers = #tpu.dot_dimension_numbers<[1], [0], [0], [1], [0, 0, 1, 1], [], []>, transpose_lhs_hint = false} : vector<2000x64xf32>, vector<64x128xf32>, vector<2000x128xf32> -> vector<2000x128xf32>
    %get3A_49 = arith.constant 0 : index
    %get3A_50 = arith.constant 0 : index
    %get3A_51 = vector.load %arg8[%get3A_49, %get3A_50] : memref<1x128xf32, #tpu.memory_space<vmem>>, vector<1x128xf32>
    %add3A_52 = vector.broadcast %get3A_51 : vector<1x128xf32> to vector<2000x128xf32>
    %add3A_53 = arith.addf %dot_general3A_48, %add3A_52 : vector<2000x128xf32>
    %add3A_54 = arith.addf %get3A_1, %add3A_53 : vector<2000x128xf32>
    %reduce_sum3A = arith.constant dense<0.000000e+00> : vector<2000xf32>
    %reduce_sum3A_55 = vector.multi_reduction <add>, %add3A_54, %reduce_sum3A [1] : vector<2000x128xf32> to vector<2000xf32>
    %broadcast_in_dim3A = vector.shape_cast %reduce_sum3A_55 : vector<2000xf32> to vector<2000x1xf32>
    %div3A_56 = arith.constant 1.280000e+02 : f32
    %div3A_57 = vector.broadcast %div3A_56 : f32 to vector<2000x1xf32>
    %div3A_58 = arith.divf %broadcast_in_dim3A, %div3A_57 : vector<2000x1xf32>
    %sub3A = vector.broadcast %div3A_58 : vector<2000x1xf32> to vector<2000x128xf32>
    %sub3A_59 = arith.subf %add3A_54, %sub3A : vector<2000x128xf32>
    %integer_pow3A = arith.mulf %sub3A_59, %sub3A_59 : vector<2000x128xf32>
    %reduce_sum3A_60 = arith.constant dense<0.000000e+00> : vector<2000xf32>
    %reduce_sum3A_61 = vector.multi_reduction <add>, %integer_pow3A, %reduce_sum3A_60 [1] : vector<2000x128xf32> to vector<2000xf32>
    %broadcast_in_dim3A_62 = vector.shape_cast %reduce_sum3A_61 : vector<2000xf32> to vector<2000x1xf32>
    %div3A_63 = arith.constant 1.280000e+02 : f32
    %div3A_64 = vector.broadcast %div3A_63 : f32 to vector<2000x1xf32>
    %div3A_65 = arith.divf %broadcast_in_dim3A_62, %div3A_64 : vector<2000x1xf32>
    %sub3A_66 = vector.broadcast %div3A_58 : vector<2000x1xf32> to vector<2000x128xf32>
    %sub3A_67 = arith.subf %add3A_54, %sub3A_66 : vector<2000x128xf32>
    %add3A_68 = arith.constant 9.99999974E-6 : f32
    %add3A_69 = vector.broadcast %add3A_68 : f32 to vector<2000x1xf32>
    %add3A_70 = arith.addf %div3A_65, %add3A_69 : vector<2000x1xf32>
    %rsqrt3A = math.rsqrt %add3A_70 : vector<2000x1xf32>
    %mul3A = vector.broadcast %rsqrt3A : vector<2000x1xf32> to vector<2000x128xf32>
    %mul3A_71 = arith.mulf %sub3A_67, %mul3A : vector<2000x128xf32>
    %get3A_72 = arith.constant 0 : index
    %get3A_73 = arith.constant 0 : index
    %get3A_74 = vector.load %arg9[%get3A_72, %get3A_73] : memref<1x128xf32, #tpu.memory_space<vmem>>, vector<1x128xf32>
    %mul3A_75 = vector.broadcast %get3A_74 : vector<1x128xf32> to vector<2000x128xf32>
    %mul3A_76 = arith.mulf %mul3A_71, %mul3A_75 : vector<2000x128xf32>
    %get3A_77 = arith.constant 0 : index
    %get3A_78 = arith.constant 0 : index
    %get3A_79 = vector.load %arg10[%get3A_77, %get3A_78] : memref<1x128xf32, #tpu.memory_space<vmem>>, vector<1x128xf32>
    %add3A_80 = vector.broadcast %get3A_79 : vector<1x128xf32> to vector<2000x128xf32>
    %add3A_81 = arith.addf %mul3A_76, %add3A_80 : vector<2000x128xf32>
    %swap3A = arith.constant 0 : index
    %swap3A_82 = arith.constant 0 : index
    %swap3A_83 = vector.load %arg11[%swap3A, %swap3A_82] : memref<2000x128xf32, #tpu.memory_space<vmem>>, vector<2000x128xf32>
    tpu.vector_store %arg11[%swap3A, %swap3A_82], %add3A_81 {strides = array<i32>} : memref<2000x128xf32, #tpu.memory_space<vmem>>, vector<2000x128xf32>,
    return
  }
  func.func @transform_0(%arg0: i32) -> (i32, i32) {
    %c0_i32 = arith.constant 0 : i32
    %c0_i32_0 = arith.constant 0 : i32
    return %arg0, %c0_i32 : i32, i32
  }
  func.func @transform_1(%arg0: i32) -> (i32, i32, i32) {
    %c0_i32 = arith.constant 0 : i32
    %c0_i32_0 = arith.constant 0 : i32
    %c0_i32_1 = arith.constant 0 : i32
    return %c0_i32, %arg0, %c0_i32_0 : i32, i32, i32
  }
  func.func @transform_2(%arg0: i32) -> (i32, i32, i32) {
    %c0_i32 = arith.constant 0 : i32
    %c0_i32_0 = arith.constant 0 : i32
    %c0_i32_1 = arith.constant 0 : i32
    return %c0_i32, %arg0, %c0_i32_0 : i32, i32, i32
  }
  func.func @transform_3(%arg0: i32) -> (i32, i32) {
    %c0_i32 = arith.constant 0 : i32
    %c0_i32_0 = arith.constant 0 : i32
    %c0_i32_1 = arith.constant 0 : i32
    return %c0_i32, %c0_i32_0 : i32, i32
  }
  func.func @transform_4(%arg0: i32) -> (i32, i32) {
    %c0_i32 = arith.constant 0 : i32
    %c0_i32_0 = arith.constant 0 : i32
    %c0_i32_1 = arith.constant 0 : i32
    return %c0_i32, %c0_i32_0 : i32, i32
  }
  func.func @transform_5(%arg0: i32) -> (i32, i32) {
    %c0_i32 = arith.constant 0 : i32
    %c0_i32_0 = arith.constant 0 : i32
    %c0_i32_1 = arith.constant 0 : i32
    return %c0_i32, %c0_i32_0 : i32, i32
  }
  func.func @transform_6(%arg0: i32) -> (i32, i32) {
    %c0_i32 = arith.constant 0 : i32
    %c0_i32_0 = arith.constant 0 : i32
    %c0_i32_1 = arith.constant 0 : i32
    return %c0_i32, %c0_i32_0 : i32, i32
  }
  func.func @transform_7(%arg0: i32) -> (i32, i32) {
    %c0_i32 = arith.constant 0 : i32
    %c0_i32_0 = arith.constant 0 : i32
    %c0_i32_1 = arith.constant 0 : i32
    return %c0_i32, %c0_i32_0 : i32, i32
  }
  func.func @transform_8(%arg0: i32) -> (i32, i32) {
    %c0_i32 = arith.constant 0 : i32
    %c0_i32_0 = arith.constant 0 : i32
    %c0_i32_1 = arith.constant 0 : i32
    return %c0_i32, %c0_i32_0 : i32, i32
  }
  func.func @transform_9(%arg0: i32) -> (i32, i32) {
    %c0_i32 = arith.constant 0 : i32
    %c0_i32_0 = arith.constant 0 : i32
    %c0_i32_1 = arith.constant 0 : i32
    return %c0_i32, %c0_i32_0 : i32, i32
  }
  func.func @transform_10(%arg0: i32) -> (i32, i32) {
    %c0_i32 = arith.constant 0 : i32
    %c0_i32_0 = arith.constant 0 : i32
    return %arg0, %c0_i32 : i32, i32
  }
}

</mosaic_0001>

<sc_bundles>
// kernel: kernel.10.cloned.1.call-start
scs
__scs_entry_jumppad:
0x0: {  	(pc) =	sbr.rel $0x88, $3  }
0x1: {  	(tag) =	ssettag $0x0;
	lr =	simm.s32 $0x1  }
0x2: {  	[smem:$0x3F92] =	sst lr;
	_ =	strace $0xD0000000  }
0x3: {  	_ = 	snop  }
0x4: {  	_ = 	snop  }
0x5: {  	_ = 	snop  }
0x6: {  	_ = 	snop  }
0x7: {  	_ = 	snop  }
__scs_overlays_trampoline_lowered:
0x8: {  	[smem:$0x3FA1] =	sst s0  }
0x9: {  	[smem:$0x3FA2] =	sst s1  }
0xa: {  	[smem:$0x3FA3] =	sst s2  }
0xb: {  	[smem:$0x3FA4] =	sst s3  }
0xc: {  	[smem:$0x3FA5] =	sst s4  }
0xd: {  	[smem:$0x3FA6] =	sst s5  }
0xe: {  	[smem:$0x3FA7] =	sst s6  }
0xf: {  	[smem:$0x3FA8] =	sst s7  }
0x10: {  	[smem:$0x3FA9] =	sst s8  }
0x11: {  	[smem:$0x3FAA] =	sst s9;
	s0 =	simm.s32 @!p0 $0x0  }
0x12: {  	s1 =	sld [smem:$0x3F90];
	s0 =	simm.s32 @p0 $0x1  }
0x13: {  	[smem:$0x3FAB] =	sst s0;
	s0 =	simm.s32 @!p1 $0x0  }
0x14: {  	s2 =	sld [smem:$0x3F8F];
	s0 =	simm.s32 @p1 $0x1  }
0x15: {  	[smem:$0x3FAC] =	sst s0;
	s0 =	simm.s32 @!p2 $0x0  }
0x16: {  	s3 =	sld [smem:$0x3FDB];
	s0 =	simm.s32 @p2 $0x1  }
0x17: {  	s4 =	simm.s32 $0x1BF5;
	[smem:$0x3FAE] =	sst s0  }
0x18: {  	s0 =	sld [smem:$0x3F91];
	_ =	swait.ge [sflag:s4], $0x0  }
0x19: {  	s7 =	sld [smem:$0x3F92]  }
0x1a: {  	s8 =	sadd.s32 $0xFFFFE003, lr  }
0x1b: {  	s9 =	sadd.s32 $0xFFFFFEF7, lr;
	s5 =	simm.s32 $0xFFFFFFFF;
	p2 =	slt.u32 s8, $0xFFFFF086  }
0x1c: {  	p1 =	slt.u32 s9, $0xF7A;
	s5 =	simm.s32 @!p2 $0x0  }
0x1d: {  	s5 =	simm.s32 @p1 $0x1;
	p0 =	seq.s32 s7, s2  }
0x1e: {  	s7 =	smul.u32 @!p0 $0xF7A, s2;
	p2 =	seq.s32 @!p0 s5, $0x0  }
0x1f: {  	s9 =	smul.u32 $0xF7A, s1;
	s8 =	simm.s32 @!p0 $0x1BF5;
	p2 =	por !p2, p0  }
0x20: {  	[sflag:s8] =	ssyncset.s32 @!p0 $0xFFFFF086;
	s6 =	sadd.s32 @!p0 s3, s7;
	s7 =	simm.s32 @!p0 $0x108  }
0x21: {  	s3 =	sadd.s32 s3, s9;
	s6 =	sadd.s32 @!p0 $0x88, s6;
	s7 =	simm.s32 @p2 $0x1082  }
0x22: {  	[simem:s7], [sflag:s8] =	dma.local @!p0 [hbm:s6], $0xF7A  }
0x23: {  	s9 =	sor.u32 $0xD0000000, s2;
	s6 =	simm.s32 $0x108;
	_ =	swait.ge @!p0 [sflag:s8], $0x0  }
0x24: {  	s3 =	sadd.s32 $0x88, s3;
	s6 =	simm.s32 @!p1 $0x1082;
	[sflag:s4] =	ssyncset.s32 $0xFFFFF086  }
0x25: {  	[simem:s6], [sflag:s4] =	dma.local [hbm:s3], $0xF7A  }
0x26: {  	[smem:$0x3F92] =	sst s1;
	(tag) =	ssettag s2;
	_ =	strace s9  }
0x27: {  	s1 =	sld [smem:$0x3FA2]  }
0x28: {  	s2 =	sld [smem:$0x3FA3]  }
0x29: {  	s4 =	sld [smem:$0x3FA5]  }
0x2a: {  	p0 =	seq.s32 s5, $0x0;
	s5 =	sld [smem:$0x3FA6]  }
0x2b: {  	s6 =	sld [smem:$0x3FA7]  }
0x2c: {  	s7 =	sld [smem:$0x3FA8]  }
0x2d: {  	s3 =	simm.s32 $0x108;
	s8 =	sld [smem:$0x3FA9]  }
0x2e: {  	s3 =	simm.s32 @!p0 $0x1082;
	s9 =	sld [smem:$0x3FAA]  }
0x2f: {  	lr =	sadd.s32 s0, s3;
	s0 =	sld [smem:$0x3FA1]  }
0x30: {  	s3 =	sld [smem:$0x3FA4]  }
0x31: {  	[smem:$0x3FAD] =	sst s10  }
0x32: {  	s10 =	sld [smem:$0x3FAB];
	_ =	sdelay $0x3  }
0x33: {  	p0 =	seq.s32 s10, $0x1;
	s10 =	sld [smem:$0x3FAD];
	_ =	sdelay $0x3  }
0x34: {  	[smem:$0x3FAD] =	sst s10  }
0x35: {  	s10 =	sld [smem:$0x3FAC];
	_ =	sdelay $0x3  }
0x36: {  	p1 =	seq.s32 s10, $0x1;
	s10 =	sld [smem:$0x3FAD];
	_ =	sdelay $0x3  }
0x37: {  	[smem:$0x3FAD] =	sst s10  }
0x38: {  	s10 =	sld [smem:$0x3FAE]  }
0x39: {  	_ = 	snop;
	(pc) =	sbr.ind lr, $3  }
0x3a: {  	_ = 	snop  }
0x3b: {  	_ = 	snop  }
0x3c: {  	p2 =	seq.s32 s10, $0x1;
	s10 =	sld [smem:$0x3FAD]  }
0x3d: {  	_ =	shalt  }
0x3e: {  	_ =	shalt  }
0x3f: {  	_ =	shalt  }
0x40: {  	_ =	shalt  }
0x41: {  	_ =	shalt  }
0x42: {  	_ =	shalt  }
0x43: {  	_ =	shalt  }
0x44: {  	_ =	shalt  }
0x45: {  	_ =	shalt  }
0x46: {  	_ =	shalt  }
0x47: {  	_ =	shalt  }
0x48: {  	_ =	shalt  }
0x49: {  	_ =	shalt  }
0x4a: {  	_ =	shalt  }
0x4b: {  	_ =	shalt  }
0x4c: {  	_ =	shalt  }
0x4d: {  	_ =	shalt  }
0x4e: {  	_ =	shalt  }
0x4f: {  	_ =	shalt  }
0x50: {  	_ =	shalt  }
0x51: {  	_ =	shalt  }
0x52: {  	_ =	shalt  }
0x53: {  	_ =	shalt  }
0x54: {  	_ =	shalt  }
0x55: {  	_ =	shalt  }
0x56: {  	_ =	shalt  }
0x57: {  	_ =	shalt  }
0x58: {  	_ =	shalt  }
0x59: {  	_ =	shalt  }
0x5a: {  	_ =	shalt  }
0x5b: {  	_ =	shalt  }
0x5c: {  	_ =	shalt  }
0x5d: {  	_ =	shalt  }
0x5e: {  	_ =	shalt  }
0x5f: {  	_ =	shalt  }
0x60: {  	_ =	shalt  }
0x61: {  	_ =	shalt  }
0x62: {  	_ =	shalt  }
0x63: {  	_ =	shalt  }
0x64: {  	_ =	shalt  }
0x65: {  	_ =	shalt  }
0x66: {  	_ =	shalt  }
0x67: {  	_ =	shalt  }
0x68: {  	_ =	shalt  }
0x69: {  	_ =	shalt  }
0x6a: {  	_ =	shalt  }
0x6b: {  	_ =	shalt  }
0x6c: {  	_ =	shalt  }
0x6d: {  	_ =	shalt  }
0x6e: {  	_ =	shalt  }
0x6f: {  	_ =	shalt  }
0x70: {  	_ =	shalt  }
0x71: {  	_ =	shalt  }
0x72: {  	_ =	shalt  }
0x73: {  	_ =	shalt  }
0x74: {  	_ =	shalt  }
0x75: {  	_ =	shalt  }
0x76: {  	_ =	shalt  }
0x77: {  	_ =	shalt  }
0x78: {  	_ =	shalt  }
0x79: {  	_ =	shalt  }
0x7a: {  	_ =	shalt  }
0x7b: {  	_ =	shalt  }
0x7c: {  	_ =	shalt  }
0x7d: {  	_ =	shalt  }
0x7e: {  	_ =	shalt  }
0x7f: {  	_ =	shalt  }
0x80: {  	_ =	shalt  }
0x81: {  	_ =	shalt  }
0x82: {  	_ =	shalt  }
0x83: {  	_ =	shalt  }
0x84: {  	_ =	shalt  }
0x85: {  	_ =	shalt  }
0x86: {  	_ =	shalt  }
0x87: {  	_ =	shalt  }
.Lfunc_end0:
.L_simem_size_0:
called_computation.1_lowered:
.L_overlay_start_0:
0x88: {  	s2 =	sld [smem:$0x3FD9]  }
0x89: {  	s3 =	sld [smem:$0x3FFE];
	_ =	sdelay $0x1  }
0x8a: {  	s1 =	srdreg.scid  }
0x8b: {  	s0 =	sand.u32 $0x1, s1  }
0x8c: {  	s14 =	sshll.u32 s0, $0xA;
	s2 =	sadd.s32 s3, s2  }
0x8d: {  	s2 =	sadd.s32 s2, s14  }
0x8e: {  	[smem:$0x3FB9] =	sst s2  }
0x8f: {  	_ = 	snop  }
0x90: {  	s2 =	sld [smem:$0x3FD0];
	_ =	sdelay $0x2  }
0x91: {  	s15 =	simm.s32 $0xA;
	s4 =	simm.s32 $0x10  }
0x92: {  	[smem:s4], [sflag:s15] =	dma.local [hbm:s2], $0x1  }
0x93: {  	_ =	swait.eq [sflag:s15], $0x1  }
0x94: {  	[sflag:s15] =	ssyncset.done $0x0  }
0x95: {  	[sflag:s15] =	ssyncadd.s32 $0xFFFFFFFF  }
0x96: {  	s16 =	sld [smem:$0x10];
	(tm) =	ssettm $0x1  }
0x97: {  	s17 =	sld [smem:$0x3FFB];
	_ =	sdelay $0x3  }
0x98: {  	_ =	strace s17  }
0x99: {  	s3 =	sld [smem:$0x3FFC];
	_ =	sdelay $0x3  }
0x9a: {  	_ =	strace s3  }
0x9b: {  	s3 =	sld [smem:$0x3FFD];
	_ =	sdelay $0x3  }
0x9c: {  	_ =	strace s3  }
0x9d: {  	_ =	strace $0x8FFFFFFF  }
0x9e: {  	s18 =	sld [smem:$0x3FDB];
	_ =	sdelay $0x1  }
0x9f: {  	s19 =	simm.s32 $_scs_section_size  }
0xa0: {  	s5 =	simm.s32 $_size__tile_overlayer_lowered;
	s6 =	simm.s32 $_tile_overlayer_lowered  }
0xa1: {  	s22 =	simm.s32 $0x1BFF;
	s21 =	sshll.u32 s6, $0x1;
	s3 =	sadd.s32 s19, s18  }
0xa2: {  	s7 =	simm.s32 $0x0;
	s20 =	sshll.u32 s5, $0x1;
	s5 =	sadd.s32 s21, s3  }
0xa3: {  	[timem:s7], [sflag:s22] =	dma.local [hbm:s5], s20  }
0xa4: {  	_ =	swait.ge [sflag:s22], s20  }
0xa5: {  	s4 =	ssub.s32 $0x0, s20;
	[sflag:s22] =	ssyncset.done $0x0  }
0xa6: {  	[sflag:s22] =	ssyncadd.s32 s4;
	_ =	sdelay $0x1  }
0xa7: {  	s23 =	simm.s32 $0x1B8B  }
0xa8: {  	_ =	swait.ge [sflag:s23], $0x1  }
0xa9: {  	[sflag:s23] =	ssyncset.done $0x0  }
0xaa: {  	s25 =	simm.s32 $0x1B8E;
	s24 =	sld [smem:$0x3FFE];
	[sflag:s23] =	ssyncadd.s32 $0xFFFFFFFF  }
0xab: {  	s26 =	simm.s32 $execute0_lowered;
	[smem:$0x3FD2] =	sst s25  }
0xac: {  	s5 =	sshll.u32 s26, $0x1;
	_ =	strace $0x80000049;
	[dreg:$0x1] =	wrdreg $0xFFFFFFFF  }
0xad: {  	s28 =	simm.s32 $_size_execute0_lowered;
	s3 =	sadd.s32 s3, s5;
	[dreg:$0x0] =	wrdreg $0x0  }
0xae: {  	s5 =	sshll.u32 s28, $0x1;
	[dreg:$0x2] =	wrdreg s3  }
0xaf: {  	[dreg:$0x3] =	wrdreg s5  }
0xb0: {  	[dreg:$0x4] =	wrdreg $0xC0  }
0xb1: {  	_ =	task [dreg:s7], $0x5FFFF  }
0xb2: {  	[dreg:$0x1] =	wrdreg $0xFFFFFFFF  }
0xb3: {  	[dreg:$0x0] =	wrdreg $0x60  }
0xb4: {  	[dreg:$0x2] =	wrdreg s24  }
0xb5: {  	[dreg:$0x3] =	wrdreg s16  }
0xb6: {  	[dreg:$0x4] =	wrdreg $0x1A900  }
0xb7: {  	[dreg:$0x5] =	wrdreg $0x9  }
0xb8: {  	_ =	task.clear_ibuf [dreg:s7], $0x6FFFF;
	_ =	strace $0x90000049  }
0xb9: {  	s29 =	simm.s32 $0x9;
	_ =	strace $0x8000004B  }
0xba: {  	_ =	swait.ge [sflag:s29], $0x1  }
0xbb: {  	[sflag:s29] =	ssyncadd.s32 $0xFFFFFFFF  }
0xbc: {  	_ =	strace $0x9000004B  }
0xbd: {  	_ =	sfence  }
0xbe: {  	s30 =	sld [smem:$0x0];
	_ =	sdelay $0x2  }
0xbf: {  	s31 =	sshll.u32 s1, $0xD;
	s1 =	sshrl.u32 s1, $0x2  }
0xc0: {  	s3 =	sand.u32 $0x4000, s31;
	s1 =	sadd.s32 s1, s30  }
0xc1: {  	s0 =	sor.u32 s3, s0;
	s1 =	sshll.u32 s1, $0x11  }
0xc2: {  	s0 =	sor.u32 s1, s0  }
0xc3: {  	s0 =	sadd.s32 $0x8F2B, s0  }
0xc4: {  	[sflag:s0] =	ssyncadd.remote.s32 $0x1  }
0xc5: {  	_ =	sfence.sel $0xFFFF  }
0xc6: {  	[dreg:$0x0] =	wrdreg $0xFFFFFFFF;
	(pc) =	sbr.abs _section_cstart, $3  }
0xc7: {  	[dreg:$0x1] =	wrdreg $0xFFFFFFFF  }
0xc8: {  	_ =	task.clear_ibuf [dreg:s7], $0x2FFFF;
	_ =	strace $0x9FFFFFFF  }
0xc9: {  	(tm) =	ssettm $0x7FFFFFFF  }
tec
execute0_lowered:
.L_overlay_start_1:
0x0: {  	(tag) =	ssettag $0x1  }
0x1: {  	s0 =	rddreg [dreg:$0x0]  }
0x2: {  	s2 =	rddreg [dreg:$0x1]  }
0x3: {  	s1 =	rddreg [dreg:$0x2];
	s3 =	simm.s32 $0x0;
	s14 =	stileid.u32  }
0x4: {  	s4 =	srdreg.scid;
	s28 =	simm.s32 $0x980;
	s29 =	simm.s32 $0x100  }
0x5: {  	s30 =	simm.s32 $0x1180;
	s31 =	simm.s32 $0x1;
	[smem:$0x7FF] =	sst s3  }
0x6: {  	s5 =	sadd.s32 $0x1D800, s0;
	s6 =	smul.u32 $0x2710, s14;
	s8 =	sand.u32 $0x1, s4  }
0x7: {  	s4 =	sadd.s32 $0xEA00, s0;
	s9 =	sshll.u32 s14, $0x1;
	s15 =	smul.u32 $0x4E20, s14  }
0x8: {  	s21 =	sshll.u32 s14, $0x6;
	_ =	strace $0x8000004A;
	s26 =	smul.u32 $0x27100, s8  }
0x9: {  	s7 =	ssub.s32 $0x2, s8;
	s9 =	sor.u32 s8, s9;
	s8 =	smul.u32 $0x2710, s8  }
0xa: {  	s10 =	sshrl.u32 s6, $0x3;
	s11 =	sshrl.u32 s7, $0x1;
	s19 =	smul.u32 $0x2710, s9  }
0xb: {  	s20 =	sadd.s32 s6, s1;
	s9 =	smul.u32 $0x4E20, s9;
	s0 =	sadd.s32 s10, s0  }
0xc: {  	s10 =	ssub.s32 s7, s11;
	[dreg:$0x4] =	wrdreg s20;
	s7 =	sor.u32 $0x1C04, s21  }
0xd: {  	s6 =	sadd.s32 s6, s26;
	s8 =	sadd.s32 s8, s15;
	s0 =	sadd.s32 $0x18800, s0  }
0xe: {  	s12 =	sshrl.u32 s19, $0x3;
	s13 =	sadd.s32 $0x80, s19;
	s9 =	sadd.s32 s5, s9  }
0xf: {  	s25 =	sadd.s32 $0x100, s19;
	s11 =	sadd.s32 $0x2700, s19;
	s19 =	sshrl.u32 s6, $0x3  }
0x10: {  	s20 =	sadd.s32 $0x280, s8;
	s6 =	simm.s32 $0x1990;
	[dreg:$0x5] =	wrdreg s0  }
0x11: {  	s22 =	sadd.s32 s4, s12;
	s23 =	sshrl.u32 s13, $0x3;
	[dreg:$0x7] =	wrdreg s9  }
0x12: {  	s24 =	sshll.u32 s13, $0x1;
	s13 =	sshrl.u32 s25, $0x3;
	s16 =	sshrl.u32 s11, $0x3  }
0x13: {  	s18 =	sshll.u32 s11, $0x1;
	s21 =	sshll.u32 s20, $0x1;
	[dreg:$0x6] =	wrdreg s22  }
0x14: {  	s0 =	sadd.s32 s4, s23;
	s12 =	sadd.s32 s4, s13;
	s17 =	sadd.s32 s4, s16  }
0x15: {  	s16 =	sadd.s32 s2, s19;
	s22 =	sshrl.u32 s20, $0x3;
	s23 =	sadd.s32 $0x200, s8  }
0x16: {  	s20 =	sadd.s32 $0x180, s8;
	s2 =	simm.s32 $0x3;
	[dreg:$0x8] =	wrdreg s0  }
0x17: {  	s8 =	simm.s32 $0x0;
	s0 =	sadd.s32 s5, s24;
	[dreg:$0xa] =	wrdreg s12  }
0x18: {  	[dreg:$0xc] =	wrdreg s17;
	s17 =	smax.u32 s10, $0x1;
	s19 =	sadd.s32 s22, s4  }
0x19: {  	s24 =	sshll.u32 s23, $0x1;
	s26 =	sshll.u32 s20, $0x1;
	[dreg:$0x9] =	wrdreg s0  }
0x1a: {  	s0 =	sshll.u32 s25, $0x1;
	s25 =	sshrl.u32 s23, $0x3;
	s23 =	sadd.s32 s26, s5  }
0x1b: {  	s26 =	simm.s32 $0x80;
	s0 =	sadd.s32 s5, s0;
	s22 =	sadd.s32 s25, s4  }
0x1c: {  	s25 =	simm.s32 $0x180;
	[dreg:$0xb] =	wrdreg s0;
	s0 =	sadd.s32 s5, s18  }
0x1d: {  	s18 =	sadd.s32 s21, s5;
	s21 =	sadd.s32 s24, s5;
	s24 =	simm.s32 $0x4  }
0x1e: {  	s5 =	simm.s32 $0x1980;
	[dreg:$0xd] =	wrdreg s0;
	s0 =	simm.s32 $0x2  }
.LBB2_1:
0x1f: {  	s9 =	rddreg [dreg:$0x4]  }
0x20: {  	s10 =	rddreg [dreg:$0x5];
	s9 =	sshrl.u32 s9, $0x3  }
0x21: {  	[spmem:s9], [sflag:s7] =	dma.local [hbm:s10], $0x4E2  }
0x22: {  	_ =	swait.ge [sflag:s24], $0x4E2  }
0x23: {  	[sflag:s24] =	ssyncset.done $0x0  }
0x24: {  	[sflag:s24] =	ssyncadd.s32 $0xFFFFFB1E  }
0x25: {  	[bflag:$0x0] =	sbarrier.arrive $0xFFFF  }
0x26: {  	s12 =	rddreg [dreg:$0x6]  }
0x27: {  	[tilespmem:s3], [sflag:$0x1] =	stream.linear.gather [hbm4b:s12+s3], $0x80, $0x38;
	[tilespmem:$0x41A0] =	vst v63  }
0x28: {  	s13 =	rddreg [dreg:$0x7]  }
0x29: {  	[tilespmem:s25], [sflag:$0x1] =	stream.linear.gather [hbm4b:s13+s3], $0x800, $0x38;
	[tilespmem:$0x41A0] =	vst v63  }
0x2a: {  	s14 =	rddreg [dreg:$0x8]  }
0x2b: {  	[tilespmem:s26], [sflag:$0x2] =	stream.linear.gather [hbm4b:s14+s3], $0x80, $0x38;
	[tilespmem:$0x41A0] =	vst v63  }
0x2c: {  	s15 =	rddreg [dreg:$0x9]  }
0x2d: {  	[tilespmem:s28], [sflag:$0x2] =	stream.linear.gather [hbm4b:s15+s3], $0x800, $0x38;
	[tilespmem:$0x41A0] =	vst v63  }
0x2e: {  	s11 =	rddreg [dreg:$0xa]  }
0x2f: {  	[tilespmem:s29], [sflag:$0x3] =	stream.linear.gather [hbm4b:s11+s3], $0x80, $0x38;
	[tilespmem:$0x41A0] =	vst v63  }
0x30: {  	s12 =	rddreg [dreg:$0xb]  }
0x31: {  	[tilespmem:s30], [sflag:$0x3] =	stream.linear.gather [hbm4b:s12+s3], $0x800, $0x38;
	[tilespmem:$0x41A0] =	vst v63  }
0x32: {  	_ =	swait.ge [sflag:s31], $0x80  }
0x33: {  	[sflag:s31] =	ssyncset.done $0x0  }
0x34: {  	[sflag:s31] =	ssyncadd.s32 $0xFFFFFF80  }
0x35: {  	_ =	swait.ge [sflag:s31], $0x800  }
0x36: {  	[sflag:s31] =	ssyncset.done $0x0  }
0x37: {  	[sflag:s31] =	ssyncadd.s32 $0xFFFFF800  }
0x38: {  	[spmem:s1] =	stream.indirect.scatter.add.f32 [tilespmem:s25], [sflag:$0x4], $0x10, s3, s26, $0xb8;
	[tilespmem:$0x41A0] =	vst v63  }
0x39: {  	_ =	swait.ge [sflag:s24], $0x800  }
0x3a: {  	s13 =	sshrl.u32 s20, $0x3;
	[sflag:s24] =	ssyncset.done $0x0  }
0x3b: {  	s10 =	sadd.s32 s4, s13;
	[sflag:s24] =	ssyncadd.s32 $0xFFFFF800  }
0x3c: {  	[tilespmem:s3], [sflag:$0x1] =	stream.linear.gather [hbm4b:s10+s3], $0x80, $0x38;
	[tilespmem:$0x41A0] =	vst v63  }
0x3d: {  	s14 =	sadd.s32 $0x0, s23  }
0x3e: {  	[tilespmem:s25], [sflag:$0x1] =	stream.linear.gather [hbm4b:s14+s3], $0x800, $0x38;
	[tilespmem:$0x41A0] =	vst v63  }
0x3f: {  	_ =	swait.ge [sflag:s0], $0x80  }
0x40: {  	[sflag:s0] =	ssyncset.done $0x0  }
0x41: {  	[sflag:s0] =	ssyncadd.s32 $0xFFFFFF80  }
0x42: {  	_ =	swait.ge [sflag:s0], $0x800  }
0x43: {  	[sflag:s0] =	ssyncset.done $0x0  }
0x44: {  	[sflag:s0] =	ssyncadd.s32 $0xFFFFF800  }
0x45: {  	[spmem:s1] =	stream.indirect.scatter.add.f32 [tilespmem:s28], [sflag:$0x4], $0x10, s26, s26, $0xb8;
	[tilespmem:$0x41A0] =	vst v63  }
0x46: {  	_ =	swait.ge [sflag:s24], $0x800  }
0x47: {  	[sflag:s24] =	ssyncset.done $0x0  }
0x48: {  	[sflag:s24] =	ssyncadd.s32 $0xFFFFF800  }
0x49: {  	[tilespmem:s26], [sflag:$0x2] =	stream.linear.gather [hbm4b:s22+s3], $0x80, $0x38;
	[tilespmem:$0x41A0] =	vst v63  }
0x4a: {  	s15 =	sadd.s32 $0x0, s21  }
0x4b: {  	[tilespmem:s28], [sflag:$0x2] =	stream.linear.gather [hbm4b:s15+s3], $0x800, $0x38;
	[tilespmem:$0x41A0] =	vst v63  }
0x4c: {  	_ =	swait.ge [sflag:s2], $0x80  }
0x4d: {  	[sflag:s2] =	ssyncset.done $0x0  }
0x4e: {  	[sflag:s2] =	ssyncadd.s32 $0xFFFFFF80  }
0x4f: {  	_ =	swait.ge [sflag:s2], $0x800  }
0x50: {  	[sflag:s2] =	ssyncset.done $0x0  }
0x51: {  	[sflag:s2] =	ssyncadd.s32 $0xFFFFF800  }
0x52: {  	[spmem:s1] =	stream.indirect.scatter.add.f32 [tilespmem:s30], [sflag:$0x4], $0x10, s29, s26, $0xb8;
	[tilespmem:$0x41A0] =	vst v63  }
0x53: {  	s13 =	sadd.s32 $0x30, s22;
	_ =	swait.ge [sflag:s24], $0x800  }
0x54: {  	s11 =	sadd.s32 $0x180, s20;
	s12 =	sadd.s32 $0x30, s19;
	[sflag:s24] =	ssyncset.done $0x0  }
0x55: {  	s10 =	simm.s32 $0x300;
	s14 =	sadd.s32 $0x0, s18;
	[sflag:s24] =	ssyncadd.s32 $0xFFFFF800  }
0x56: {  	[tilespmem:s29], [sflag:$0x3] =	stream.linear.gather [hbm4b:s19+s3], $0x80, $0x38;
	[tilespmem:$0x41A0] =	vst v63  }
.LBB2_2:
0x57: {  	[tilespmem:s30], [sflag:$0x3] =	stream.linear.gather [hbm4b:s14+s3], $0x800, $0x38;
	[tilespmem:$0x41A0] =	vst v63  }
0x58: {  	s14 =	smov.u32 s10  }
0x59: {  	p0 =	sne.s32 s10, $0x4800;
	s10 =	sadd.s32 $0x300, s10;
	_ =	swait.ge [sflag:s31], $0x80  }
0x5a: {  	[sflag:s31] =	ssyncset.done $0x0  }
0x5b: {  	[sflag:s31] =	ssyncadd.s32 $0xFFFFFF80  }
0x5c: {  	_ =	swait.ge [sflag:s31], $0x800  }
0x5d: {  	[sflag:s31] =	ssyncset.done $0x0  }
0x5e: {  	[sflag:s31] =	ssyncadd.s32 $0xFFFFF800  }
0x5f: {  	[spmem:s1] =	stream.indirect.scatter.add.f32 [tilespmem:s25], [sflag:$0x4], $0x10, s3, s26, $0xb8;
	[tilespmem:$0x41A0] =	vst v63  }
0x60: {  	_ =	swait.ge [sflag:s24], $0x800  }
0x61: {  	s15 =	sshrl.u32 s11, $0x3;
	[sflag:s24] =	ssyncset.done $0x0  }
0x62: {  	s15 =	sadd.s32 s4, s15;
	[sflag:s24] =	ssyncadd.s32 $0xFFFFF800  }
0x63: {  	[tilespmem:s3], [sflag:$0x1] =	stream.linear.gather [hbm4b:s15+s3], $0x80, $0x38;
	[tilespmem:$0x41A0] =	vst v63  }
0x64: {  	s15 =	sadd.s32 s14, s23  }
0x65: {  	[tilespmem:s25], [sflag:$0x1] =	stream.linear.gather [hbm4b:s15+s3], $0x800, $0x38;
	[tilespmem:$0x41A0] =	vst v63  }
0x66: {  	_ =	swait.ge [sflag:s0], $0x80  }
0x67: {  	[sflag:s0] =	ssyncset.done $0x0  }
0x68: {  	[sflag:s0] =	ssyncadd.s32 $0xFFFFFF80  }
0x69: {  	_ =	swait.ge [sflag:s0], $0x800  }
0x6a: {  	[sflag:s0] =	ssyncset.done $0x0  }
0x6b: {  	[sflag:s0] =	ssyncadd.s32 $0xFFFFF800  }
0x6c: {  	[spmem:s1] =	stream.indirect.scatter.add.f32 [tilespmem:s28], [sflag:$0x4], $0x10, s26, s26, $0xb8;
	[tilespmem:$0x41A0] =	vst v63  }
0x6d: {  	_ =	swait.ge [sflag:s24], $0x800  }
0x6e: {  	[sflag:s24] =	ssyncset.done $0x0  }
0x6f: {  	[sflag:s24] =	ssyncadd.s32 $0xFFFFF800  }
0x70: {  	[tilespmem:s26], [sflag:$0x2] =	stream.linear.gather [hbm4b:s13+s3], $0x80, $0x38;
	[tilespmem:$0x41A0] =	vst v63  }
0x71: {  	s15 =	sadd.s32 s14, s21  }
0x72: {  	[tilespmem:s28], [sflag:$0x2] =	stream.linear.gather [hbm4b:s15+s3], $0x800, $0x38;
	[tilespmem:$0x41A0] =	vst v63  }
0x73: {  	_ =	swait.ge [sflag:s2], $0x80  }
0x74: {  	[sflag:s2] =	ssyncset.done $0x0  }
0x75: {  	[sflag:s2] =	ssyncadd.s32 $0xFFFFFF80  }
0x76: {  	_ =	swait.ge [sflag:s2], $0x800  }
0x77: {  	[sflag:s2] =	ssyncset.done $0x0  }
0x78: {  	[sflag:s2] =	ssyncadd.s32 $0xFFFFF800  }
0x79: {  	[spmem:s1] =	stream.indirect.scatter.add.f32 [tilespmem:s30], [sflag:$0x4], $0x10, s29, s26, $0xb8;
	[tilespmem:$0x41A0] =	vst v63  }
.Ltmp0:
0x7a: {  	_ =	swait.ge [sflag:s24], $0x800;
	(pc) =	sbr.rel @p0 .LBB2_2-.Ltmp0, $4  }
0x7b: {  	[sflag:s24] =	ssyncset.done $0x0  }
0x7c: {  	s11 =	sadd.s32 $0x180, s11;
	[sflag:s24] =	ssyncadd.s32 $0xFFFFF800  }
0x7d: {  	[tilespmem:s29], [sflag:$0x3] =	stream.linear.gather [hbm4b:s12+s3], $0x80, $0x38;
	[tilespmem:$0x41A0] =	vst v63  }
0x7e: {  	s14 =	sadd.s32 s14, s18;
	s13 =	sadd.s32 $0x30, s13;
	s12 =	sadd.s32 $0x30, s12  }
0x7f: {  	[tilespmem:s30], [sflag:$0x3] =	stream.linear.gather [hbm4b:s14+s3], $0x800, $0x38;
	[tilespmem:$0x41A0] =	vst v63  }
0x80: {  	_ =	swait.ge [sflag:s31], $0x80  }
0x81: {  	[sflag:s31] =	ssyncset.done $0x0  }
0x82: {  	[sflag:s31] =	ssyncadd.s32 $0xFFFFFF80  }
0x83: {  	_ =	swait.ge [sflag:s31], $0x800  }
0x84: {  	[sflag:s31] =	ssyncset.done $0x0  }
0x85: {  	[sflag:s31] =	ssyncadd.s32 $0xFFFFF800  }
0x86: {  	[spmem:s1] =	stream.indirect.scatter.add.f32 [tilespmem:s25], [sflag:$0x4], $0x10, s3, s26, $0xb8;
	[tilespmem:$0x41A0] =	vst v63  }
0x87: {  	_ =	swait.ge [sflag:s24], $0x800  }
0x88: {  	[sflag:s24] =	ssyncset.done $0x0  }
0x89: {  	[sflag:s24] =	ssyncadd.s32 $0xFFFFF800  }
0x8a: {  	_ =	swait.ge [sflag:s0], $0x80  }
0x8b: {  	[sflag:s0] =	ssyncset.done $0x0  }
0x8c: {  	[sflag:s0] =	ssyncadd.s32 $0xFFFFFF80  }
0x8d: {  	_ =	swait.ge [sflag:s0], $0x800  }
0x8e: {  	[sflag:s0] =	ssyncset.done $0x0  }
0x8f: {  	[sflag:s0] =	ssyncadd.s32 $0xFFFFF800  }
0x90: {  	[spmem:s1] =	stream.indirect.scatter.add.f32 [tilespmem:s28], [sflag:$0x4], $0x10, s26, s26, $0xb8;
	[tilespmem:$0x41A0] =	vst v63  }
0x91: {  	_ =	swait.ge [sflag:s24], $0x800  }
0x92: {  	[sflag:s24] =	ssyncset.done $0x0  }
0x93: {  	[sflag:s24] =	ssyncadd.s32 $0xFFFFF800  }
0x94: {  	_ =	swait.ge [sflag:s2], $0x80  }
0x95: {  	[sflag:s2] =	ssyncset.done $0x0  }
0x96: {  	[sflag:s2] =	ssyncadd.s32 $0xFFFFFF80  }
0x97: {  	_ =	swait.ge [sflag:s2], $0x800  }
0x98: {  	[sflag:s2] =	ssyncset.done $0x0  }
0x99: {  	[sflag:s2] =	ssyncadd.s32 $0xFFFFF800  }
0x9a: {  	[spmem:s1] =	stream.indirect.scatter.add.f32 [tilespmem:s30], [sflag:$0x4], $0x10, s29, s26, $0xb8;
	[tilespmem:$0x41A0] =	vst v63  }
0x9b: {  	_ =	swait.ge [sflag:s24], $0x800  }
0x9c: {  	[sflag:s24] =	ssyncset.done $0x0  }
0x9d: {  	s10 =	rddreg [dreg:$0xc];
	[sflag:s24] =	ssyncadd.s32 $0xFFFFF800  }
0x9e: {  	[tilespmem:s5], [sflag:$0x4] =	stream.linear.gather [hbm4b:s10+s3], $0x10, $0x38;
	[tilespmem:$0x41A0] =	vst v63  }
0x9f: {  	_ =	swait.ge [sflag:s24], $0x10  }
0xa0: {  	[sflag:s24] =	ssyncset.done $0x0  }
0xa1: {  	s14 =	rddreg [dreg:$0xd];
	[sflag:s24] =	ssyncadd.s32 $0xFFFFFFF0  }
0xa2: {  	[tilespmem:s6], [sflag:$0x4] =	stream.linear.gather [hbm4b:s14+s3], $0x100, $0x38;
	[tilespmem:$0x41A0] =	vst v63  }
0xa3: {  	_ =	swait.ge [sflag:s24], $0x100  }
0xa4: {  	[sflag:s24] =	ssyncset.done $0x0  }
0xa5: {  	s15 =	simm.s32 $0x10;
	[sflag:s24] =	ssyncadd.s32 $0xFFFFFF00  }
0xa6: {  	[spmem:s1] =	stream.indirect.scatter.add.f32 [tilespmem:s6], [sflag:$0x4], $0x10, s5, s15, $0xb8;
	[tilespmem:$0x41A0] =	vst v63  }
0xa7: {  	_ =	swait.ge [sflag:s24], $0x100  }
0xa8: {  	s8 =	sadd.s32 $0x1, s8;
	[sflag:s24] =	ssyncset.done $0x0  }
0xa9: {  	p0 =	sne.s32 s8, s17;
	[sflag:s24] =	ssyncadd.s32 $0xFFFFFF00  }
.Ltmp1:
0xaa: {  	[bflag:$0x0] =	sbarrier.arrive $0xFFFF;
	(pc) =	sbr.rel @p0 .LBB2_1-.Ltmp1, $4  }
0xab: {  	[hbm:s16], [sflag:s7] =	dma.local [spmem:s9], $0x4E2  }
0xac: {  	_ =	swait.ge [sflag:s24], $0x4E2  }
0xad: {  	[sflag:s24] =	ssyncset.done $0x0  }
0xae: {  	[sflag:s24] =	ssyncadd.s32 $0xFFFFFB1E  }
0xaf: {  	_ =	sfence.sel $0x180000  }
0xb0: {  	[bflag:$0x0] =	sbarrier.arrive $0xFFFF  }
0xb1: {  	_ =	strace $0x9000004A  }
0xb2: {  	s0 =	stileid.u32;
	[bflag:$0x2] =	sbarrier.arrive $0xFFFF  }
0xb3: {  	p0 =	sne.s32 s0, $0x0;
	s0 =	rddreg [dreg:$0x3]  }
0xb4: {  	s0 =	sadd.s32 @!p0 $0x100000, s0  }
0xb5: {  	[sflag:s0] =	ssyncadd.tile.s32 @!p0 $0x1;
	_ =	shalt  }
.Lfunc_end2:
_tile_overlayer_lowered:
.L_overlay_start_2:
0xb6: {  	(tag) =	ssettag $0x2  }
0xb7: {  	s0 =	rddreg [dreg:$0x0];
	s2 =	stileid.u32  }
0xb8: {  	s1 =	rddreg [dreg:$0x1];
	p0 =	sne.s32 s2, $0x0  }
0xb9: {  	s3 =	rddreg [dreg:$0x2];
	[bflag:$0x3] =	sbarrier.arrive $0xFFFF;
	s2 =	simm.s32 @!p0 $0x1C04  }
0xba: {  	[timem:s3], [sflag:s2] =	dma.local @!p0 [hbm:s0], s1  }
0xbb: {  	s0 =	simm.s32 @!p0 $0x4  }
0xbc: {  	_ =	swait.ge @!p0 [sflag:s0], s1  }
0xbd: {  	s1 =	ssub.s32 @!p0 $0x0, s1;
	[sflag:s0] =	ssyncset.done @!p0 $0x0  }
0xbe: {  	[sflag:s0] =	ssyncadd.s32 @!p0 s1  }
0xbf: {  	[bflag:$0x3] =	sbarrier.arrive $0xFFFF  }
0xc0: {  	_ =	shalt  }

// kernel: kernel.7.cloned.1.call-start
scs
__scs_entry_jumppad:
0x0: {  	(pc) =	sbr.rel $0x88, $3  }
0x1: {  	(tag) =	ssettag $0x0;
	lr =	simm.s32 $0x1  }
0x2: {  	[smem:$0x3F92] =	sst lr;
	_ =	strace $0xD0000000  }
0x3: {  	_ = 	snop  }
0x4: {  	_ = 	snop  }
0x5: {  	_ = 	snop  }
0x6: {  	_ = 	snop  }
0x7: {  	_ = 	snop  }
__scs_overlays_trampoline_lowered:
0x8: {  	[smem:$0x3FA1] =	sst s0  }
0x9: {  	[smem:$0x3FA2] =	sst s1  }
0xa: {  	[smem:$0x3FA3] =	sst s2  }
0xb: {  	[smem:$0x3FA4] =	sst s3  }
0xc: {  	[smem:$0x3FA5] =	sst s4  }
0xd: {  	[smem:$0x3FA6] =	sst s5  }
0xe: {  	[smem:$0x3FA7] =	sst s6  }
0xf: {  	[smem:$0x3FA8] =	sst s7  }
0x10: {  	[smem:$0x3FA9] =	sst s8  }
0x11: {  	[smem:$0x3FAA] =	sst s9;
	s0 =	simm.s32 @!p0 $0x0  }
0x12: {  	s1 =	sld [smem:$0x3F90];
	s0 =	simm.s32 @p0 $0x1  }
0x13: {  	[smem:$0x3FAB] =	sst s0;
	s0 =	simm.s32 @!p1 $0x0  }
0x14: {  	s2 =	sld [smem:$0x3F8F];
	s0 =	simm.s32 @p1 $0x1  }
0x15: {  	[smem:$0x3FAC] =	sst s0;
	s0 =	simm.s32 @!p2 $0x0  }
0x16: {  	s3 =	sld [smem:$0x3FDB];
	s0 =	simm.s32 @p2 $0x1  }
0x17: {  	s4 =	simm.s32 $0x1BF5;
	[smem:$0x3FAE] =	sst s0  }
0x18: {  	s0 =	sld [smem:$0x3F91];
	_ =	swait.ge [sflag:s4], $0x0  }
0x19: {  	s7 =	sld [smem:$0x3F92]  }
0x1a: {  	s8 =	sadd.s32 $0xFFFFE003, lr  }
0x1b: {  	s9 =	sadd.s32 $0xFFFFFEF7, lr;
	s5 =	simm.s32 $0xFFFFFFFF;
	p2 =	slt.u32 s8, $0xFFFFF086  }
0x1c: {  	p1 =	slt.u32 s9, $0xF7A;
	s5 =	simm.s32 @!p2 $0x0  }
0x1d: {  	s5 =	simm.s32 @p1 $0x1;
	p0 =	seq.s32 s7, s2  }
0x1e: {  	s7 =	smul.u32 @!p0 $0xF7A, s2;
	p2 =	seq.s32 @!p0 s5, $0x0  }
0x1f: {  	s9 =	smul.u32 $0xF7A, s1;
	s8 =	simm.s32 @!p0 $0x1BF5;
	p2 =	por !p2, p0  }
0x20: {  	[sflag:s8] =	ssyncset.s32 @!p0 $0xFFFFF086;
	s6 =	sadd.s32 @!p0 s3, s7;
	s7 =	simm.s32 @!p0 $0x108  }
0x21: {  	s3 =	sadd.s32 s3, s9;
	s6 =	sadd.s32 @!p0 $0x88, s6;
	s7 =	simm.s32 @p2 $0x1082  }
0x22: {  	[simem:s7], [sflag:s8] =	dma.local @!p0 [hbm:s6], $0xF7A  }
0x23: {  	s9 =	sor.u32 $0xD0000000, s2;
	s6 =	simm.s32 $0x108;
	_ =	swait.ge @!p0 [sflag:s8], $0x0  }
0x24: {  	s3 =	sadd.s32 $0x88, s3;
	s6 =	simm.s32 @!p1 $0x1082;
	[sflag:s4] =	ssyncset.s32 $0xFFFFF086  }
0x25: {  	[simem:s6], [sflag:s4] =	dma.local [hbm:s3], $0xF7A  }
0x26: {  	[smem:$0x3F92] =	sst s1;
	(tag) =	ssettag s2;
	_ =	strace s9  }
0x27: {  	s1 =	sld [smem:$0x3FA2]  }
0x28: {  	s2 =	sld [smem:$0x3FA3]  }
0x29: {  	s4 =	sld [smem:$0x3FA5]  }
0x2a: {  	p0 =	seq.s32 s5, $0x0;
	s5 =	sld [smem:$0x3FA6]  }
0x2b: {  	s6 =	sld [smem:$0x3FA7]  }
0x2c: {  	s7 =	sld [smem:$0x3FA8]  }
0x2d: {  	s3 =	simm.s32 $0x108;
	s8 =	sld [smem:$0x3FA9]  }
0x2e: {  	s3 =	simm.s32 @!p0 $0x1082;
	s9 =	sld [smem:$0x3FAA]  }
0x2f: {  	lr =	sadd.s32 s0, s3;
	s0 =	sld [smem:$0x3FA1]  }
0x30: {  	s3 =	sld [smem:$0x3FA4]  }
0x31: {  	[smem:$0x3FAD] =	sst s10  }
0x32: {  	s10 =	sld [smem:$0x3FAB];
	_ =	sdelay $0x3  }
0x33: {  	p0 =	seq.s32 s10, $0x1;
	s10 =	sld [smem:$0x3FAD];
	_ =	sdelay $0x3  }
0x34: {  	[smem:$0x3FAD] =	sst s10  }
0x35: {  	s10 =	sld [smem:$0x3FAC];
	_ =	sdelay $0x3  }
0x36: {  	p1 =	seq.s32 s10, $0x1;
	s10 =	sld [smem:$0x3FAD];
	_ =	sdelay $0x3  }
0x37: {  	[smem:$0x3FAD] =	sst s10  }
0x38: {  	s10 =	sld [smem:$0x3FAE]  }
0x39: {  	_ = 	snop;
	(pc) =	sbr.ind lr, $3  }
0x3a: {  	_ = 	snop  }
0x3b: {  	_ = 	snop  }
0x3c: {  	p2 =	seq.s32 s10, $0x1;
	s10 =	sld [smem:$0x3FAD]  }
0x3d: {  	_ =	shalt  }
0x3e: {  	_ =	shalt  }
0x3f: {  	_ =	shalt  }
0x40: {  	_ =	shalt  }
0x41: {  	_ =	shalt  }
0x42: {  	_ =	shalt  }
0x43: {  	_ =	shalt  }
0x44: {  	_ =	shalt  }
0x45: {  	_ =	shalt  }
0x46: {  	_ =	shalt  }
0x47: {  	_ =	shalt  }
0x48: {  	_ =	shalt  }
0x49: {  	_ =	shalt  }
0x4a: {  	_ =	shalt  }
0x4b: {  	_ =	shalt  }
0x4c: {  	_ =	shalt  }
0x4d: {  	_ =	shalt  }
0x4e: {  	_ =	shalt  }
0x4f: {  	_ =	shalt  }
0x50: {  	_ =	shalt  }
0x51: {  	_ =	shalt  }
0x52: {  	_ =	shalt  }
0x53: {  	_ =	shalt  }
0x54: {  	_ =	shalt  }
0x55: {  	_ =	shalt  }
0x56: {  	_ =	shalt  }
0x57: {  	_ =	shalt  }
0x58: {  	_ =	shalt  }
0x59: {  	_ =	shalt  }
0x5a: {  	_ =	shalt  }
0x5b: {  	_ =	shalt  }
0x5c: {  	_ =	shalt  }
0x5d: {  	_ =	shalt  }
0x5e: {  	_ =	shalt  }
0x5f: {  	_ =	shalt  }
0x60: {  	_ =	shalt  }
0x61: {  	_ =	shalt  }
0x62: {  	_ =	shalt  }
0x63: {  	_ =	shalt  }
0x64: {  	_ =	shalt  }
0x65: {  	_ =	shalt  }
0x66: {  	_ =	shalt  }
0x67: {  	_ =	shalt  }
0x68: {  	_ =	shalt  }
0x69: {  	_ =	shalt  }
0x6a: {  	_ =	shalt  }
0x6b: {  	_ =	shalt  }
0x6c: {  	_ =	shalt  }
0x6d: {  	_ =	shalt  }
0x6e: {  	_ =	shalt  }
0x6f: {  	_ =	shalt  }
0x70: {  	_ =	shalt  }
0x71: {  	_ =	shalt  }
0x72: {  	_ =	shalt  }
0x73: {  	_ =	shalt  }
0x74: {  	_ =	shalt  }
0x75: {  	_ =	shalt  }
0x76: {  	_ =	shalt  }
0x77: {  	_ =	shalt  }
0x78: {  	_ =	shalt  }
0x79: {  	_ =	shalt  }
0x7a: {  	_ =	shalt  }
0x7b: {  	_ =	shalt  }
0x7c: {  	_ =	shalt  }
0x7d: {  	_ =	shalt  }
0x7e: {  	_ =	shalt  }
0x7f: {  	_ =	shalt  }
0x80: {  	_ =	shalt  }
0x81: {  	_ =	shalt  }
0x82: {  	_ =	shalt  }
0x83: {  	_ =	shalt  }
0x84: {  	_ =	shalt  }
0x85: {  	_ =	shalt  }
0x86: {  	_ =	shalt  }
0x87: {  	_ =	shalt  }
.Lfunc_end0:
.L_simem_size_0:
called_computation_lowered:
.L_overlay_start_0:
0x88: {  	s2 =	sld [smem:$0x3FD9]  }
0x89: {  	s3 =	sld [smem:$0x3FFE];
	_ =	sdelay $0x1  }
0x8a: {  	s1 =	srdreg.scid  }
0x8b: {  	s0 =	sand.u32 $0x1, s1  }
0x8c: {  	s14 =	sshll.u32 s0, $0xA;
	s2 =	sadd.s32 s3, s2  }
0x8d: {  	s2 =	sadd.s32 s2, s14  }
0x8e: {  	[smem:$0x3FB9] =	sst s2  }
0x8f: {  	_ = 	snop  }
0x90: {  	s2 =	sld [smem:$0x3FD0];
	_ =	sdelay $0x2  }
0x91: {  	s15 =	simm.s32 $0xA;
	s4 =	simm.s32 $0x10  }
0x92: {  	[smem:s4], [sflag:s15] =	dma.local [hbm:s2], $0x1  }
0x93: {  	_ =	swait.eq [sflag:s15], $0x1  }
0x94: {  	[sflag:s15] =	ssyncset.done $0x0  }
0x95: {  	s16 =	sld [smem:$0x10];
	[sflag:s15] =	ssyncadd.s32 $0xFFFFFFFF  }
0x96: {  	s17 =	sld [smem:$0x11];
	(tm) =	ssettm $0x1  }
0x97: {  	s18 =	sld [smem:$0x3FFB];
	_ =	sdelay $0x3  }
0x98: {  	_ =	strace s18  }
0x99: {  	s4 =	sld [smem:$0x3FFC];
	_ =	sdelay $0x3  }
0x9a: {  	_ =	strace s4  }
0x9b: {  	s4 =	sld [smem:$0x3FFD];
	_ =	sdelay $0x3  }
0x9c: {  	_ =	strace s4  }
0x9d: {  	_ =	strace $0x8FFFFFFF  }
0x9e: {  	s19 =	sld [smem:$0x3FDB];
	_ =	sdelay $0x1  }
0x9f: {  	s5 =	simm.s32 $_scs_section_size  }
0xa0: {  	s6 =	simm.s32 $_size__tile_overlayer_lowered;
	s7 =	simm.s32 $_tile_overlayer_lowered  }
0xa1: {  	s22 =	simm.s32 $0x1BFF;
	s21 =	sshll.u32 s7, $0x1;
	s4 =	sadd.s32 s5, s19  }
0xa2: {  	s8 =	simm.s32 $0x0;
	s20 =	sshll.u32 s6, $0x1;
	s6 =	sadd.s32 s21, s4  }
0xa3: {  	[timem:s8], [sflag:s22] =	dma.local [hbm:s6], s20  }
0xa4: {  	_ =	swait.ge [sflag:s22], s20  }
0xa5: {  	s5 =	ssub.s32 $0x0, s20;
	[sflag:s22] =	ssyncset.done $0x0  }
0xa6: {  	[sflag:s22] =	ssyncadd.s32 s5;
	_ =	sdelay $0x1  }
0xa7: {  	s23 =	simm.s32 $0x1B8B  }
0xa8: {  	_ =	swait.ge [sflag:s23], $0x1  }
0xa9: {  	[sflag:s23] =	ssyncset.done $0x0  }
0xaa: {  	s25 =	simm.s32 $0x1B8E;
	s24 =	sld [smem:$0x3FFE];
	[sflag:s23] =	ssyncadd.s32 $0xFFFFFFFF  }
0xab: {  	s26 =	simm.s32 $execute0_lowered;
	[smem:$0x3FD2] =	sst s25  }
0xac: {  	s6 =	sshll.u32 s26, $0x1;
	_ =	strace $0x80000046;
	[dreg:$0x1] =	wrdreg $0xFFFFFFFF  }
0xad: {  	s28 =	simm.s32 $_size_execute0_lowered;
	s4 =	sadd.s32 s4, s6;
	[dreg:$0x0] =	wrdreg $0x0  }
0xae: {  	s6 =	sshll.u32 s28, $0x1;
	[dreg:$0x2] =	wrdreg s4  }
0xaf: {  	[dreg:$0x3] =	wrdreg s6  }
0xb0: {  	[dreg:$0x4] =	wrdreg $0xC0  }
0xb1: {  	_ =	task [dreg:s8], $0x5FFFF  }
0xb2: {  	[dreg:$0x1] =	wrdreg $0xFFFFFFFF  }
0xb3: {  	[dreg:$0x0] =	wrdreg $0x60  }
0xb4: {  	[dreg:$0x2] =	wrdreg s16  }
0xb5: {  	[dreg:$0x3] =	wrdreg s17  }
0xb6: {  	[dreg:$0x4] =	wrdreg s24  }
0xb7: {  	[dreg:$0x5] =	wrdreg $0x6F200  }
0xb8: {  	[dreg:$0x6] =	wrdreg $0x9  }
0xb9: {  	_ =	task.clear_ibuf [dreg:s8], $0x7FFFF;
	_ =	strace $0x90000046  }
0xba: {  	s29 =	simm.s32 $0x9;
	_ =	strace $0x80000048  }
0xbb: {  	_ =	swait.ge [sflag:s29], $0x1  }
0xbc: {  	[sflag:s29] =	ssyncadd.s32 $0xFFFFFFFF  }
0xbd: {  	_ =	strace $0x90000048  }
0xbe: {  	_ =	sfence  }
0xbf: {  	s30 =	sld [smem:$0x0];
	_ =	sdelay $0x2  }
0xc0: {  	s31 =	sshll.u32 s1, $0xD;
	s1 =	sshrl.u32 s1, $0x2  }
0xc1: {  	s3 =	sand.u32 $0x4000, s31;
	s1 =	sadd.s32 s1, s30  }
0xc2: {  	s0 =	sor.u32 s3, s0;
	s1 =	sshll.u32 s1, $0x11  }
0xc3: {  	s0 =	sor.u32 s1, s0  }
0xc4: {  	s0 =	sadd.s32 $0x8F2B, s0  }
0xc5: {  	[sflag:s0] =	ssyncadd.remote.s32 $0x1  }
0xc6: {  	_ =	sfence.sel $0xFFFF  }
0xc7: {  	[dreg:$0x0] =	wrdreg $0xFFFFFFFF;
	(pc) =	sbr.abs _section_cstart, $3  }
0xc8: {  	[dreg:$0x1] =	wrdreg $0xFFFFFFFF  }
0xc9: {  	_ =	task.clear_ibuf [dreg:s8], $0x2FFFF;
	_ =	strace $0x9FFFFFFF  }
0xca: {  	(tm) =	ssettm $0x7FFFFFFF  }
0xcb: {  	_ =	shalt  }
tec
execute0_lowered:
.L_overlay_start_1:
0x0: {  	(tag) =	ssettag $0x1  }
0x1: {  	s0 =	rddreg [dreg:$0x2]  }
0x2: {  	s2 =	rddreg [dreg:$0x3]  }
0x3: {  	s5 =	simm.s32 $0x0;
	s1 =	stileid.u32;
	s6 =	srdreg.scid  }
0x4: {  	s31 =	simm.s32 $0xD;
	[smem:$0x7FF] =	sst s5;
	s3 =	smul.u32 $0x2710, s1  }
0x5: {  	s4 =	sadd.s32 $0x4C00, s0;
	s6 =	sand.u32 $0x1, s6;
	s20 =	sadd.s32 $0xEA00, s0  }
0x6: {  	s9 =	sadd.s32 $0x1D800, s0;
	s28 =	sshll.u32 s1, $0x1;
	s13 =	smul.u32 $0x4E20, s1  }
0x7: {  	s10 =	sadd.s32 $0x1DA00, s0;
	s30 =	sshll.u32 s1, $0x6;
	s8 =	smul.u32 $0x27100, s6  }
0x8: {  	_ =	strace $0x80000047;
	[dreg:$0xa] =	wrdreg s9;
	s14 =	smul.u32 $0x2710, s6  }
0x9: {  	s9 =	sor.u32 s6, s28;
	s11 =	ssub.s32 $0x2, s6;
	s6 =	smul.u32 $0x13880, s6  }
0xa: {  	[dreg:$0x9] =	wrdreg s20;
	s7 =	sshrl.u32 s3, $0x3;
	s12 =	smul.u32 $0x2710, s9  }
0xb: {  	s29 =	sshrl.u32 s11, $0x1;
	s2 =	sadd.s32 s3, s2;
	s16 =	smul.u32 $0x9C400, s9  }
0xc: {  	s7 =	sadd.s32 s7, s0;
	s8 =	sadd.s32 s3, s8;
	[dreg:$0xb] =	wrdreg s2  }
0xd: {  	s2 =	sor.u32 $0x1C0D, s30;
	s9 =	sadd.s32 s14, s13;
	s13 =	simm.s32 $0x1  }
0xe: {  	s8 =	sshrl.u32 s8, $0x3;
	s15 =	sadd.s32 $0x18800, s7;
	s3 =	sshrl.u32 s12, $0x3  }
0xf: {  	s19 =	sadd.s32 $0x280, s9;
	s7 =	sshrl.u32 s16, $0x3;
	s12 =	sadd.s32 $0x2700, s12  }
0x10: {  	s28 =	sshll.u32 s9, $0x3;
	[dreg:$0xd] =	wrdreg s2;
	s0 =	sadd.s32 s8, s0  }
0x11: {  	s8 =	ssub.s32 s11, s29;
	[dreg:$0xc] =	wrdreg s15;
	s17 =	sadd.s32 s4, s3  }
0x12: {  	s18 =	sadd.s32 s20, s3;
	s11 =	sshrl.u32 s19, $0x3;
	[dreg:$0xe] =	wrdreg s17  }
0x13: {  	s21 =	sadd.s32 $0x10, s3;
	[dreg:$0xf] =	wrdreg s18;
	s22 =	sadd.s32 s11, s20  }
0x14: {  	s25 =	sshll.u32 s12, $0x3;
	s11 =	sadd.s32 s11, s4;
	[dreg:$0x5] =	wrdreg s22  }
0x15: {  	s15 =	sadd.s32 $0x200, s9;
	s30 =	sadd.s32 s10, s25;
	[dreg:$0x6] =	wrdreg s11  }
0x16: {  	s3 =	sadd.s32 $0x20, s3;
	s14 =	sadd.s32 s4, s21;
	[dreg:$0x10] =	wrdreg s30  }
0x17: {  	s23 =	sshrl.u32 s15, $0x3;
	s15 =	sadd.s32 s20, s21;
	[dreg:$0x11] =	wrdreg s14  }
0x18: {  	s7 =	sadd.s32 s10, s7;
	s17 =	sadd.s32 s4, s3;
	[dreg:$0x12] =	wrdreg s15  }
0x19: {  	s29 =	smul.u32 $0x27100, s1;
	s18 =	sadd.s32 s20, s3;
	[dreg:$0x14] =	wrdreg s17  }
0x1a: {  	s19 =	sshrl.u32 s12, $0x3;
	s21 =	sadd.s32 $0x12C00, s7;
	[dreg:$0x15] =	wrdreg s18  }
0x1b: {  	s25 =	sadd.s32 s20, s19;
	s0 =	sadd.s32 $0x28EA00, s0;
	[dreg:$0x16] =	wrdreg s21  }
0x1c: {  	s3 =	simm.s32 $0x0;
	s24 =	sadd.s32 s23, s20;
	[dreg:$0x1a] =	wrdreg s25  }
0x1d: {  	s26 =	sadd.s32 s23, s4;
	s11 =	sadd.s32 s10, s28;
	[dreg:$0x1b] =	wrdreg s0  }
0x1e: {  	s10 =	sadd.s32 s29, s10;
	s22 =	sadd.s32 $0x13000, s7;
	[dreg:$0x7] =	wrdreg s24  }
0x1f: {  	s23 =	sadd.s32 $0x13400, s7;
	s28 =	sadd.s32 $0x180, s9;
	[dreg:$0x8] =	wrdreg s26  }
0x20: {  	s15 =	simm.s32 $0x2;
	s18 =	simm.s32 $0x3;
	[dreg:$0x17] =	wrdreg s22  }
0x21: {  	s21 =	simm.s32 $0x5;
	s25 =	simm.s32 $0x9;
	[dreg:$0x18] =	wrdreg s23  }
0x22: {  	s17 =	simm.s32 $0xC;
	s16 =	sadd.s32 s6, s10;
	[dreg:$0x1d] =	wrdreg s28  }
0x23: {  	s24 =	sadd.s32 s4, s19;
	s26 =	smax.u32 s8, $0x1;
	[dreg:$0x13] =	wrdreg s16  }
0x24: {  	s29 =	sadd.s32 $0x800, s11;
	s30 =	sadd.s32 $0x400, s11;
	[dreg:$0x19] =	wrdreg s24  }
0x25: {  	s8 =	simm.s32 $0x80;
	s22 =	simm.s32 $0x6;
	[dreg:$0x1c] =	wrdreg s26  }
0x26: {  	s23 =	simm.s32 $0x7;
	s11 =	simm.s32 $0xB;
	[dreg:$0x1e] =	wrdreg s29  }
0x27: {  	[dreg:$0x1f] =	wrdreg s30;
	s24 =	simm.s32 $0x8;
	s26 =	simm.s32 $0xA  }
.LBB2_1:
0x28: {  	[smem:$0x7FC] =	sst s3  }
0x29: {  	s0 =	rddreg [dreg:$0xb]  }
0x2a: {  	s7 =	rddreg [dreg:$0xc];
	s1 =	sshrl.u32 s0, $0x3  }
0x2b: {  	[smem:$0x7FD] =	sst s1  }
0x2c: {  	[spmem:s1], [sflag:s2] =	dma.local [hbm:s7], $0x4E2  }
0x2d: {  	_ =	swait.ge [sflag:s31], $0x4E2  }
0x2e: {  	[sflag:s31] =	ssyncset.done $0x0  }
0x2f: {  	s6 =	simm.s32 $0x6720;
	s9 =	rddreg [dreg:$0xa];
	[sflag:s31] =	ssyncadd.s32 $0xFFFFFB1E  }
0x30: {  	[tilespmem:s6], [sflag:$0xD] =	stream.linear.gather [hbm4b:s9+s5], $0x800, $0x38;
	[tilespmem:$0x9630] =	vst v63  }
0x31: {  	_ =	swait.ge [sflag:s31], $0x800  }
0x32: {  	[sflag:s31] =	ssyncset.done $0x0  }
0x33: {  	[sflag:s31] =	ssyncadd.s32 $0xFFFFF800  }
0x34: {  	[bflag:$0x0] =	sbarrier.arrive $0xFFFF  }
0x35: {  	s10 =	rddreg [dreg:$0xe]  }
0x36: {  	[tilespmem:s5], [sflag:$0x1] =	stream.linear.gather [hbm4b:s10+s5], $0x80, $0x38;
	[tilespmem:$0x9630] =	vst v63  }
0x37: {  	s9 =	simm.s32 $0x180;
	s12 =	rddreg [dreg:$0xf]  }
0x38: {  	[tilespmem:s9], [sflag:$0x1] =	stream.linear.gather [hbm4b:s12+s5], $0x80, $0x38;
	[tilespmem:$0x9630] =	vst v63  }
0x39: {  	s14 =	rddreg [dreg:$0x11]  }
0x3a: {  	[tilespmem:s8], [sflag:$0x2] =	stream.linear.gather [hbm4b:s14+s5], $0x80, $0x38;
	[tilespmem:$0x9630] =	vst v63  }
0x3b: {  	s16 =	rddreg [dreg:$0x12];
	s12 =	simm.s32 $0x200  }
0x3c: {  	[tilespmem:s12], [sflag:$0x2] =	stream.linear.gather [hbm4b:s16+s5], $0x80, $0x38;
	[tilespmem:$0x9630] =	vst v63  }
0x3d: {  	s19 =	rddreg [dreg:$0x14];
	s14 =	simm.s32 $0x100  }
0x3e: {  	[tilespmem:s14], [sflag:$0x3] =	stream.linear.gather [hbm4b:s19+s5], $0x80, $0x38;
	[tilespmem:$0x9630] =	vst v63  }
0x3f: {  	s1 =	rddreg [dreg:$0x15];
	s16 =	simm.s32 $0x280  }
0x40: {  	[tilespmem:s16], [sflag:$0x3] =	stream.linear.gather [hbm4b:s1+s5], $0x80, $0x38;
	[tilespmem:$0x9630] =	vst v63  }
0x41: {  	_ =	swait.ge [sflag:s13], $0x80  }
0x42: {  	[sflag:s13] =	ssyncset.done $0x0  }
0x43: {  	[sflag:s13] =	ssyncadd.s32 $0xFFFFFF80  }
0x44: {  	_ =	swait.ge [sflag:s13], $0x80  }
0x45: {  	[sflag:s13] =	ssyncset.done $0x0  }
0x46: {  	[sflag:s13] =	ssyncadd.s32 $0xFFFFFF80  }
0x47: {  	s19 =	simm.s32 $0x300;
	s1 =	rddreg [dreg:$0x0]  }
0x48: {  	[tilespmem:s19], [sflag:$0x4] =	stream.indirect.gather [hbm4b:s1+s8], $0x40, s5, s8, $0xb8;
	[tilespmem:$0x9630] =	vst v63  }
0x49: {  	_ =	swait.ge [sflag:s15], $0x80  }
0x4a: {  	[sflag:s15] =	ssyncset.done $0x0  }
0x4b: {  	[sflag:s15] =	ssyncadd.s32 $0xFFFFFF80  }
0x4c: {  	_ =	swait.ge [sflag:s15], $0x80  }
0x4d: {  	[sflag:s15] =	ssyncset.done $0x0  }
0x4e: {  	s29 =	simm.s32 $0x2300;
	[sflag:s15] =	ssyncadd.s32 $0xFFFFFF80  }
0x4f: {  	[tilespmem:s29], [sflag:$0x5] =	stream.indirect.gather [hbm4b:s1+s8], $0x40, s8, s8, $0xb8;
	[tilespmem:$0x9630] =	vst v63  }
0x50: {  	_ =	swait.ge [sflag:s18], $0x80  }
0x51: {  	[sflag:s18] =	ssyncset.done $0x0  }
0x52: {  	[sflag:s18] =	ssyncadd.s32 $0xFFFFFF80  }
0x53: {  	_ =	swait.ge [sflag:s18], $0x80  }
0x54: {  	[sflag:s18] =	ssyncset.done $0x0  }
0x55: {  	s7 =	simm.s32 $0x4300;
	s2 =	simm.s32 $0x4;
	[sflag:s18] =	ssyncadd.s32 $0xFFFFFF80  }
0x56: {  	[tilespmem:s7], [sflag:$0x6] =	stream.indirect.gather [hbm4b:s1+s8], $0x40, s14, s8, $0xb8;
	[tilespmem:$0x9630] =	vst v63  }
0x57: {  	_ =	swait.ge [sflag:s2], $0x2000  }
0x58: {  	[sflag:s2] =	ssyncset.done $0x0  }
0x59: {  	[sflag:s2] =	ssyncadd.s32 $0xFFFFE000  }
0x5a: {  	s3 =	rddreg [dreg:$0x1]  }
0x5b: {  	[tilespmem:s19], [sflag:$0x7] =	stream.indirect.gather.add.f32 [hbm:s3], $0x40, s9, s8, $0xb8;
	[tilespmem:$0x9630] =	vst v63  }
0x5c: {  	_ =	swait.ge [sflag:s21], $0x2000  }
0x5d: {  	[sflag:s21] =	ssyncset.done $0x0  }
0x5e: {  	[sflag:s21] =	ssyncadd.s32 $0xFFFFE000  }
0x5f: {  	[tilespmem:s29], [sflag:$0x8] =	stream.indirect.gather.add.f32 [hbm:s3], $0x40, s12, s8, $0xb8;
	[tilespmem:$0x9630] =	vst v63  }
0x60: {  	_ =	swait.ge [sflag:s22], $0x2000  }
0x61: {  	[sflag:s22] =	ssyncset.done $0x0  }
0x62: {  	[sflag:s22] =	ssyncadd.s32 $0xFFFFE000  }
0x63: {  	[tilespmem:s7], [sflag:$0x9] =	stream.indirect.gather.add.f32 [hbm:s3], $0x40, s16, s8, $0xb8;
	[tilespmem:$0x9630] =	vst v63  }
0x64: {  	_ =	swait.ge [sflag:s23], $0x2000  }
0x65: {  	[sflag:s23] =	ssyncset.done $0x0  }
0x66: {  	s0 =	rddreg [dreg:$0x13];
	[sflag:s23] =	ssyncadd.s32 $0xFFFFE000  }
0x67: {  	[hbm4b:s0+s5] =	stream.linear.scatter [tilespmem:s19], [sflag:$0xA], $0x2000, $0x38;
	[tilespmem:$0x9630] =	vst v63  }
0x68: {  	s2 =	rddreg [dreg:$0x3]  }
0x69: {  	[spmem:s2] =	stream.indirect.scatter.add.f32 [tilespmem:s6], [sflag:$0xD], $0x10, s9, s8, $0xb8;
	[tilespmem:$0x9630] =	vst v63  }
0x6a: {  	_ =	swait.ge [sflag:s31], $0x800  }
0x6b: {  	[sflag:s31] =	ssyncset.done $0x0  }
0x6c: {  	[sflag:s31] =	ssyncadd.s32 $0xFFFFF800  }
0x6d: {  	_ =	swait.ge [sflag:s24], $0x2000  }
0x6e: {  	[sflag:s24] =	ssyncset.done $0x0  }
0x6f: {  	s3 =	rddreg [dreg:$0x1f];
	[sflag:s24] =	ssyncadd.s32 $0xFFFFE000  }
0x70: {  	[hbm4b:s3+s5] =	stream.linear.scatter [tilespmem:s29], [sflag:$0xB], $0x2000, $0x38;
	[tilespmem:$0x9630] =	vst v63  }
0x71: {  	_ = 	snop  }
0x72: {  	[spmem:s2] =	stream.indirect.scatter.add.f32 [tilespmem:s6], [sflag:$0xD], $0x10, s12, s8, $0xb8;
	[tilespmem:$0x9630] =	vst v63  }
0x73: {  	_ =	swait.ge [sflag:s31], $0x800  }
0x74: {  	[sflag:s31] =	ssyncset.done $0x0  }
0x75: {  	[sflag:s31] =	ssyncadd.s32 $0xFFFFF800  }
0x76: {  	_ =	swait.ge [sflag:s25], $0x2000  }
0x77: {  	[sflag:s25] =	ssyncset.done $0x0  }
0x78: {  	s10 =	rddreg [dreg:$0x1e];
	[sflag:s25] =	ssyncadd.s32 $0xFFFFE000  }
0x79: {  	[hbm4b:s10+s5] =	stream.linear.scatter [tilespmem:s7], [sflag:$0xC], $0x2000, $0x38;
	[tilespmem:$0x9630] =	vst v63  }
0x7a: {  	_ = 	snop  }
0x7b: {  	[spmem:s2] =	stream.indirect.scatter.add.f32 [tilespmem:s6], [sflag:$0xD], $0x10, s16, s8, $0xb8;
	[tilespmem:$0x9630] =	vst v63  }
0x7c: {  	_ =	swait.ge [sflag:s31], $0x800  }
0x7d: {  	s2 =	rddreg [dreg:$0x1d]  }
0x7e: {  	[sflag:s31] =	ssyncset.done $0x0;
	s6 =	sshrl.u32 s2, $0x3  }
0x7f: {  	[sflag:s31] =	ssyncadd.s32 $0xFFFFF800;
	s7 =	sadd.s32 s4, s6  }
0x80: {  	[tilespmem:s5], [sflag:$0x1] =	stream.linear.gather [hbm4b:s7+s5], $0x80, $0x38;
	[tilespmem:$0x9630] =	vst v63  }
0x81: {  	s6 =	sadd.s32 s20, s6  }
0x82: {  	[tilespmem:s9], [sflag:$0x1] =	stream.linear.gather [hbm4b:s6+s5], $0x80, $0x38;
	[tilespmem:$0x9630] =	vst v63  }
0x83: {  	_ =	swait.ge [sflag:s26], $0x2000  }
0x84: {  	s9 =	rddreg [dreg:$0x8];
	[sflag:s26] =	ssyncset.done $0x0  }
0x85: {  	s20 =	rddreg [dreg:$0x7];
	[sflag:s26] =	ssyncadd.s32 $0xFFFFE000;
	s6 =	sadd.s32 $0x0, s9  }
0x86: {  	[tilespmem:s8], [sflag:$0x2] =	stream.linear.gather [hbm4b:s6+s5], $0x80, $0x38;
	[tilespmem:$0x9630] =	vst v63  }
0x87: {  	s7 =	sadd.s32 $0x0, s20  }
0x88: {  	[tilespmem:s12], [sflag:$0x2] =	stream.linear.gather [hbm4b:s7+s5], $0x80, $0x38;
	[tilespmem:$0x9630] =	vst v63  }
0x89: {  	_ =	swait.ge [sflag:s11], $0x2000  }
0x8a: {  	s9 =	rddreg [dreg:$0x6];
	[sflag:s11] =	ssyncset.done $0x0  }
0x8b: {  	s12 =	rddreg [dreg:$0x5];
	[sflag:s11] =	ssyncadd.s32 $0xFFFFE000;
	s6 =	sadd.s32 $0x0, s9  }
0x8c: {  	[tilespmem:s14], [sflag:$0x3] =	stream.linear.gather [hbm4b:s6+s5], $0x80, $0x38;
	[tilespmem:$0x9630] =	vst v63  }
0x8d: {  	s20 =	sadd.s32 $0x0, s12  }
0x8e: {  	[tilespmem:s16], [sflag:$0x3] =	stream.linear.gather [hbm4b:s20+s5], $0x80, $0x38;
	[tilespmem:$0x9630] =	vst v63  }
0x8f: {  	_ =	swait.ge [sflag:s17], $0x2000  }
0x90: {  	[sflag:s17] =	ssyncset.done $0x0  }
0x91: {  	[sflag:s17] =	ssyncadd.s32 $0xFFFFE000  }
0x92: {  	_ =	swait.ge [sflag:s13], $0x80  }
0x93: {  	[sflag:s13] =	ssyncset.done $0x0  }
0x94: {  	[sflag:s13] =	ssyncadd.s32 $0xFFFFFF80  }
0x95: {  	_ =	swait.ge [sflag:s13], $0x80  }
0x96: {  	[sflag:s13] =	ssyncset.done $0x0  }
0x97: {  	[sflag:s13] =	ssyncadd.s32 $0xFFFFFF80  }
0x98: {  	[tilespmem:s19], [sflag:$0x4] =	stream.indirect.gather [hbm4b:s1+s8], $0x40, s5, s8, $0xb8;
	[tilespmem:$0x9630] =	vst v63  }
0x99: {  	_ =	swait.ge [sflag:s15], $0x80  }
0x9a: {  	[sflag:s15] =	ssyncset.done $0x0  }
0x9b: {  	[sflag:s15] =	ssyncadd.s32 $0xFFFFFF80  }
0x9c: {  	_ =	swait.ge [sflag:s15], $0x80  }
0x9d: {  	[sflag:s15] =	ssyncset.done $0x0  }
0x9e: {  	[sflag:s15] =	ssyncadd.s32 $0xFFFFFF80  }
0x9f: {  	[tilespmem:s29], [sflag:$0x5] =	stream.indirect.gather [hbm4b:s1+s8], $0x40, s8, s8, $0xb8;
	[tilespmem:$0x9630] =	vst v63  }
0xa0: {  	_ =	swait.ge [sflag:s18], $0x80  }
0xa1: {  	[sflag:s18] =	ssyncset.done $0x0  }
0xa2: {  	[sflag:s18] =	ssyncadd.s32 $0xFFFFFF80  }
0xa3: {  	s30 =	simm.s32 $0x30;
	s28 =	sadd.s32 $0xC00, s0;
	_ =	swait.ge [sflag:s18], $0x80  }
0xa4: {  	s0 =	smov.u32 s4;
	s7 =	sadd.s32 $0xC00, s10;
	[sflag:s18] =	ssyncset.done $0x0  }
0xa5: {  	s6 =	sadd.s32 $0x180, s2;
	s29 =	sadd.s32 $0xC00, s3;
	[sflag:s18] =	ssyncadd.s32 $0xFFFFFF80  }
.LBB2_2:
0xa6: {  	s4 =	rddreg [dreg:$0x0]  }
0xa7: {  	s14 =	simm.s32 $0x100;
	s20 =	simm.s32 $0x4300;
	s1 =	simm.s32 $0x4  }
0xa8: {  	[tilespmem:s20], [sflag:$0x6] =	stream.indirect.gather [hbm4b:s4+s8], $0x40, s14, s8, $0xb8;
	[tilespmem:$0x9630] =	vst v63  }
0xa9: {  	_ =	swait.ge [sflag:s1], $0x2000  }
0xaa: {  	[sflag:s1] =	ssyncset.done $0x0  }
0xab: {  	[sflag:s1] =	ssyncadd.s32 $0xFFFFE000  }
0xac: {  	s9 =	simm.s32 $0x180;
	s19 =	simm.s32 $0x300;
	s1 =	rddreg [dreg:$0x1]  }
0xad: {  	[tilespmem:s19], [sflag:$0x7] =	stream.indirect.gather.add.f32 [hbm:s1], $0x40, s9, s8, $0xb8;
	[tilespmem:$0x9630] =	vst v63  }
0xae: {  	_ =	swait.ge [sflag:s21], $0x2000  }
0xaf: {  	[sflag:s21] =	ssyncset.done $0x0  }
0xb0: {  	s12 =	simm.s32 $0x200;
	s3 =	simm.s32 $0x2300;
	[sflag:s21] =	ssyncadd.s32 $0xFFFFE000  }
0xb1: {  	[tilespmem:s3], [sflag:$0x8] =	stream.indirect.gather.add.f32 [hbm:s1], $0x40, s12, s8, $0xb8;
	[tilespmem:$0x9630] =	vst v63  }
0xb2: {  	_ =	swait.ge [sflag:s22], $0x2000  }
0xb3: {  	[sflag:s22] =	ssyncset.done $0x0  }
0xb4: {  	s16 =	simm.s32 $0x280;
	[sflag:s22] =	ssyncadd.s32 $0xFFFFE000  }
0xb5: {  	[tilespmem:s20], [sflag:$0x9] =	stream.indirect.gather.add.f32 [hbm:s1], $0x40, s16, s8, $0xb8;
	[tilespmem:$0x9630] =	vst v63  }
0xb6: {  	_ =	swait.ge [sflag:s23], $0x2000  }
0xb7: {  	[sflag:s23] =	ssyncset.done $0x0  }
0xb8: {  	[sflag:s23] =	ssyncadd.s32 $0xFFFFE000  }
0xb9: {  	[hbm4b:s28+s5] =	stream.linear.scatter [tilespmem:s19], [sflag:$0xA], $0x2000, $0x38;
	[tilespmem:$0x9630] =	vst v63  }
0xba: {  	s2 =	simm.s32 $0x6720;
	s1 =	rddreg [dreg:$0x3]  }
0xbb: {  	[spmem:s1] =	stream.indirect.scatter.add.f32 [tilespmem:s2], [sflag:$0xD], $0x10, s9, s8, $0xb8;
	[tilespmem:$0x9630] =	vst v63  }
0xbc: {  	_ =	swait.ge [sflag:s31], $0x800  }
0xbd: {  	[sflag:s31] =	ssyncset.done $0x0  }
0xbe: {  	[sflag:s31] =	ssyncadd.s32 $0xFFFFF800  }
0xbf: {  	_ =	swait.ge [sflag:s24], $0x2000  }
0xc0: {  	[sflag:s24] =	ssyncset.done $0x0  }
0xc1: {  	[sflag:s24] =	ssyncadd.s32 $0xFFFFE000  }
0xc2: {  	[hbm4b:s29+s5] =	stream.linear.scatter [tilespmem:s3], [sflag:$0xB], $0x2000, $0x38;
	[tilespmem:$0x9630] =	vst v63  }
0xc3: {  	_ = 	snop  }
0xc4: {  	[spmem:s1] =	stream.indirect.scatter.add.f32 [tilespmem:s2], [sflag:$0xD], $0x10, s12, s8, $0xb8;
	[tilespmem:$0x9630] =	vst v63  }
0xc5: {  	_ =	swait.ge [sflag:s31], $0x800  }
0xc6: {  	[sflag:s31] =	ssyncset.done $0x0  }
0xc7: {  	[sflag:s31] =	ssyncadd.s32 $0xFFFFF800  }
0xc8: {  	_ =	swait.ge [sflag:s25], $0x2000  }
0xc9: {  	[sflag:s25] =	ssyncset.done $0x0  }
0xca: {  	[sflag:s25] =	ssyncadd.s32 $0xFFFFE000  }
0xcb: {  	[hbm4b:s7+s5] =	stream.linear.scatter [tilespmem:s20], [sflag:$0xC], $0x2000, $0x38;
	[tilespmem:$0x9630] =	vst v63  }
0xcc: {  	_ = 	snop  }
0xcd: {  	[spmem:s1] =	stream.indirect.scatter.add.f32 [tilespmem:s2], [sflag:$0xD], $0x10, s16, s8, $0xb8;
	[tilespmem:$0x9630] =	vst v63  }
0xce: {  	_ =	swait.ge [sflag:s31], $0x800  }
0xcf: {  	s1 =	sshrl.u32 s6, $0x3;
	[sflag:s31] =	ssyncset.done $0x0  }
0xd0: {  	s20 =	sadd.s32 s0, s1;
	[sflag:s31] =	ssyncadd.s32 $0xFFFFF800  }
0xd1: {  	[tilespmem:s5], [sflag:$0x1] =	stream.linear.gather [hbm4b:s20+s5], $0x80, $0x38;
	[tilespmem:$0x9630] =	vst v63  }
0xd2: {  	s20 =	rddreg [dreg:$0x9]  }
0xd3: {  	s1 =	sadd.s32 s20, s1  }
0xd4: {  	[tilespmem:s9], [sflag:$0x1] =	stream.linear.gather [hbm4b:s1+s5], $0x80, $0x38;
	[tilespmem:$0x9630] =	vst v63  }
0xd5: {  	_ =	swait.ge [sflag:s26], $0x2000  }
0xd6: {  	s10 =	smov.u32 s30;
	s9 =	rddreg [dreg:$0x8];
	[sflag:s26] =	ssyncset.done $0x0  }
0xd7: {  	s20 =	rddreg [dreg:$0x7];
	[sflag:s26] =	ssyncadd.s32 $0xFFFFE000;
	s1 =	sadd.s32 s10, s9  }
0xd8: {  	[tilespmem:s8], [sflag:$0x2] =	stream.linear.gather [hbm4b:s1+s5], $0x80, $0x38;
	[tilespmem:$0x9630] =	vst v63  }
0xd9: {  	s2 =	sadd.s32 s10, s20  }
0xda: {  	[tilespmem:s12], [sflag:$0x2] =	stream.linear.gather [hbm4b:s2+s5], $0x80, $0x38;
	[tilespmem:$0x9630] =	vst v63  }
0xdb: {  	_ =	swait.ge [sflag:s11], $0x2000  }
0xdc: {  	s9 =	rddreg [dreg:$0x6];
	[sflag:s11] =	ssyncset.done $0x0  }
0xdd: {  	s12 =	rddreg [dreg:$0x5];
	[sflag:s11] =	ssyncadd.s32 $0xFFFFE000;
	s1 =	sadd.s32 s10, s9  }
0xde: {  	[tilespmem:s14], [sflag:$0x3] =	stream.linear.gather [hbm4b:s1+s5], $0x80, $0x38;
	[tilespmem:$0x9630] =	vst v63  }
0xdf: {  	s20 =	sadd.s32 s10, s12  }
0xe0: {  	[tilespmem:s16], [sflag:$0x3] =	stream.linear.gather [hbm4b:s20+s5], $0x80, $0x38;
	[tilespmem:$0x9630] =	vst v63  }
0xe1: {  	_ =	swait.ge [sflag:s17], $0x2000  }
0xe2: {  	[sflag:s17] =	ssyncset.done $0x0  }
0xe3: {  	[sflag:s17] =	ssyncadd.s32 $0xFFFFE000  }
0xe4: {  	_ =	swait.ge [sflag:s13], $0x80  }
0xe5: {  	[sflag:s13] =	ssyncset.done $0x0  }
0xe6: {  	[sflag:s13] =	ssyncadd.s32 $0xFFFFFF80  }
0xe7: {  	_ =	swait.ge [sflag:s13], $0x80  }
0xe8: {  	[sflag:s13] =	ssyncset.done $0x0  }
0xe9: {  	[sflag:s13] =	ssyncadd.s32 $0xFFFFFF80  }
0xea: {  	[tilespmem:s19], [sflag:$0x4] =	stream.indirect.gather [hbm4b:s4+s8], $0x40, s5, s8, $0xb8;
	[tilespmem:$0x9630] =	vst v63  }
0xeb: {  	_ =	swait.ge [sflag:s15], $0x80  }
0xec: {  	[sflag:s15] =	ssyncset.done $0x0  }
0xed: {  	[sflag:s15] =	ssyncadd.s32 $0xFFFFFF80  }
0xee: {  	_ =	swait.ge [sflag:s15], $0x80  }
0xef: {  	[sflag:s15] =	ssyncset.done $0x0  }
0xf0: {  	[sflag:s15] =	ssyncadd.s32 $0xFFFFFF80  }
0xf1: {  	[tilespmem:s3], [sflag:$0x5] =	stream.indirect.gather [hbm4b:s4+s8], $0x40, s8, s8, $0xb8;
	[tilespmem:$0x9630] =	vst v63  }
0xf2: {  	p0 =	sne.s32 s30, $0x480;
	_ =	swait.ge [sflag:s18], $0x80  }
.Ltmp0:
0xf3: {  	[sflag:s18] =	ssyncset.done $0x0;
	(pc) =	sbr.rel @p0 .LBB2_2-.Ltmp0, $4  }
0xf4: {  	[sflag:s18] =	ssyncadd.s32 $0xFFFFFF80  }
0xf5: {  	s30 =	sadd.s32 $0x30, s30;
	s28 =	sadd.s32 $0xC00, s28;
	_ =	swait.ge [sflag:s18], $0x80  }
0xf6: {  	s29 =	sadd.s32 $0xC00, s29;
	s7 =	sadd.s32 $0xC00, s7;
	[sflag:s18] =	ssyncset.done $0x0  }
0xf7: {  	s6 =	sadd.s32 $0x180, s6;
	s9 =	simm.s32 $0x100;
	[sflag:s18] =	ssyncadd.s32 $0xFFFFFF80  }
0xf8: {  	s1 =	rddreg [dreg:$0x0];
	s12 =	simm.s32 $0x4300;
	s2 =	simm.s32 $0x4  }
0xf9: {  	[tilespmem:s12], [sflag:$0x6] =	stream.indirect.gather [hbm4b:s1+s8], $0x40, s9, s8, $0xb8;
	[tilespmem:$0x9630] =	vst v63  }
0xfa: {  	_ =	swait.ge [sflag:s2], $0x2000  }
0xfb: {  	[sflag:s2] =	ssyncset.done $0x0  }
0xfc: {  	[sflag:s2] =	ssyncadd.s32 $0xFFFFE000  }
0xfd: {  	s6 =	simm.s32 $0x180;
	s7 =	simm.s32 $0x300;
	s2 =	rddreg [dreg:$0x1]  }
0xfe: {  	[tilespmem:s7], [sflag:$0x7] =	stream.indirect.gather.add.f32 [hbm:s2], $0x40, s6, s8, $0xb8;
	[tilespmem:$0x9630] =	vst v63  }
0xff: {  	_ =	swait.ge [sflag:s21], $0x2000  }
0x100: {  	[sflag:s21] =	ssyncset.done $0x0  }
0x101: {  	s19 =	simm.s32 $0x200;
	s3 =	simm.s32 $0x2300;
	[sflag:s21] =	ssyncadd.s32 $0xFFFFE000  }
0x102: {  	[tilespmem:s3], [sflag:$0x8] =	stream.indirect.gather.add.f32 [hbm:s2], $0x40, s19, s8, $0xb8;
	[tilespmem:$0x9630] =	vst v63  }
0x103: {  	_ =	swait.ge [sflag:s22], $0x2000  }
0x104: {  	[sflag:s22] =	ssyncset.done $0x0  }
0x105: {  	s10 =	simm.s32 $0x280;
	[sflag:s22] =	ssyncadd.s32 $0xFFFFE000  }
0x106: {  	[tilespmem:s12], [sflag:$0x9] =	stream.indirect.gather.add.f32 [hbm:s2], $0x40, s10, s8, $0xb8;
	[tilespmem:$0x9630] =	vst v63  }
0x107: {  	_ =	swait.ge [sflag:s23], $0x2000  }
0x108: {  	[sflag:s23] =	ssyncset.done $0x0  }
0x109: {  	s4 =	rddreg [dreg:$0x16];
	[sflag:s23] =	ssyncadd.s32 $0xFFFFE000  }
0x10a: {  	[hbm4b:s4+s5] =	stream.linear.scatter [tilespmem:s7], [sflag:$0xA], $0x2000, $0x38;
	[tilespmem:$0x9630] =	vst v63  }
0x10b: {  	s28 =	simm.s32 $0x6720;
	s20 =	rddreg [dreg:$0x3]  }
0x10c: {  	[spmem:s20] =	stream.indirect.scatter.add.f32 [tilespmem:s28], [sflag:$0xD], $0x10, s6, s8, $0xb8;
	[tilespmem:$0x9630] =	vst v63  }
0x10d: {  	_ =	swait.ge [sflag:s31], $0x800  }
0x10e: {  	[sflag:s31] =	ssyncset.done $0x0  }
0x10f: {  	[sflag:s31] =	ssyncadd.s32 $0xFFFFF800  }
0x110: {  	_ =	swait.ge [sflag:s24], $0x2000  }
0x111: {  	[sflag:s24] =	ssyncset.done $0x0  }
0x112: {  	s29 =	rddreg [dreg:$0x17];
	[sflag:s24] =	ssyncadd.s32 $0xFFFFE000  }
0x113: {  	[hbm4b:s29+s5] =	stream.linear.scatter [tilespmem:s3], [sflag:$0xB], $0x2000, $0x38;
	[tilespmem:$0x9630] =	vst v63  }
0x114: {  	_ = 	snop  }
0x115: {  	[spmem:s20] =	stream.indirect.scatter.add.f32 [tilespmem:s28], [sflag:$0xD], $0x10, s19, s8, $0xb8;
	[tilespmem:$0x9630] =	vst v63  }
0x116: {  	_ =	swait.ge [sflag:s31], $0x800  }
0x117: {  	[sflag:s31] =	ssyncset.done $0x0  }
0x118: {  	[sflag:s31] =	ssyncadd.s32 $0xFFFFF800  }
0x119: {  	_ =	swait.ge [sflag:s25], $0x2000  }
0x11a: {  	[sflag:s25] =	ssyncset.done $0x0  }
0x11b: {  	s30 =	rddreg [dreg:$0x18];
	[sflag:s25] =	ssyncadd.s32 $0xFFFFE000  }
0x11c: {  	[hbm4b:s30+s5] =	stream.linear.scatter [tilespmem:s12], [sflag:$0xC], $0x2000, $0x38;
	[tilespmem:$0x9630] =	vst v63  }
0x11d: {  	_ = 	snop  }
0x11e: {  	[spmem:s20] =	stream.indirect.scatter.add.f32 [tilespmem:s28], [sflag:$0xD], $0x10, s10, s8, $0xb8;
	[tilespmem:$0x9630] =	vst v63  }
0x11f: {  	_ =	swait.ge [sflag:s31], $0x800  }
0x120: {  	[sflag:s31] =	ssyncset.done $0x0  }
0x121: {  	s9 =	simm.s32 $0x6300;
	s3 =	rddreg [dreg:$0x19];
	[sflag:s31] =	ssyncadd.s32 $0xFFFFF800  }
0x122: {  	[tilespmem:s9], [sflag:$0xD] =	stream.linear.gather [hbm4b:s3+s5], $0x10, $0x38;
	[tilespmem:$0x9630] =	vst v63  }
0x123: {  	_ =	swait.ge [sflag:s31], $0x10  }
0x124: {  	[sflag:s31] =	ssyncset.done $0x0  }
0x125: {  	s12 =	simm.s32 $0x6310;
	s10 =	rddreg [dreg:$0x1a];
	[sflag:s31] =	ssyncadd.s32 $0xFFFFFFF0  }
0x126: {  	[tilespmem:s12], [sflag:$0xD] =	stream.linear.gather [hbm4b:s10+s5], $0x10, $0x38;
	[tilespmem:$0x9630] =	vst v63  }
0x127: {  	_ =	swait.ge [sflag:s31], $0x10  }
0x128: {  	[sflag:s31] =	ssyncset.done $0x0  }
0x129: {  	s14 =	simm.s32 $0x10;
	s16 =	simm.s32 $0x6320;
	[sflag:s31] =	ssyncadd.s32 $0xFFFFFFF0  }
0x12a: {  	[tilespmem:s16], [sflag:$0xD] =	stream.indirect.gather [hbm4b:s1+s14], $0x40, s9, s14, $0xb8;
	[tilespmem:$0x9630] =	vst v63  }
0x12b: {  	_ =	swait.ge [sflag:s31], $0x400  }
0x12c: {  	[sflag:s31] =	ssyncset.done $0x0  }
0x12d: {  	[sflag:s31] =	ssyncadd.s32 $0xFFFFFC00  }
0x12e: {  	[tilespmem:s16], [sflag:$0xD] =	stream.indirect.gather.add.f32 [hbm:s2], $0x40, s12, s14, $0xb8;
	[tilespmem:$0x9630] =	vst v63  }
0x12f: {  	_ =	swait.ge [sflag:s31], $0x400  }
0x130: {  	[sflag:s31] =	ssyncset.done $0x0  }
0x131: {  	s19 =	rddreg [dreg:$0x10];
	[sflag:s31] =	ssyncadd.s32 $0xFFFFFC00  }
0x132: {  	[hbm4b:s19+s5] =	stream.linear.scatter [tilespmem:s16], [sflag:$0xD], $0x400, $0x38;
	[tilespmem:$0x9630] =	vst v63  }
0x133: {  	_ =	swait.ge [sflag:s31], $0x400  }
0x134: {  	[sflag:s31] =	ssyncset.done $0x0  }
0x135: {  	[sflag:s31] =	ssyncadd.s32 $0xFFFFFC00  }
0x136: {  	[spmem:s20] =	stream.indirect.scatter.add.f32 [tilespmem:s28], [sflag:$0xD], $0x10, s12, s14, $0xb8;
	[tilespmem:$0x9630] =	vst v63  }
0x137: {  	_ =	swait.ge [sflag:s31], $0x100  }
0x138: {  	[sflag:s31] =	ssyncset.done $0x0  }
0x139: {  	[sflag:s31] =	ssyncadd.s32 $0xFFFFFF00  }
0x13a: {  	_ =	swait.ge [sflag:s26], $0x2000  }
0x13b: {  	[sflag:s26] =	ssyncset.done $0x0  }
0x13c: {  	[sflag:s26] =	ssyncadd.s32 $0xFFFFE000  }
0x13d: {  	_ =	swait.ge [sflag:s11], $0x2000  }
0x13e: {  	[sflag:s11] =	ssyncset.done $0x0  }
0x13f: {  	[sflag:s11] =	ssyncadd.s32 $0xFFFFE000  }
0x140: {  	_ =	swait.ge [sflag:s17], $0x2000  }
0x141: {  	[sflag:s17] =	ssyncset.done $0x0  }
0x142: {  	[sflag:s17] =	ssyncadd.s32 $0xFFFFE000  }
0x143: {  	[bflag:$0x0] =	sbarrier.arrive $0xFFFF  }
0x144: {  	s28 =	sld [smem:$0x7FD]  }
0x145: {  	s2 =	rddreg [dreg:$0xd]  }
0x146: {  	s20 =	rddreg [dreg:$0x1b]  }
0x147: {  	[hbm:s20], [sflag:s2] =	dma.local [spmem:s28], $0x4E2  }
0x148: {  	_ =	swait.ge [sflag:s31], $0x4E2  }
0x149: {  	s29 =	sld [smem:$0x7FC];
	_ =	sdelay $0x2  }
0x14a: {  	s30 =	rddreg [dreg:$0x1c];
	s3 =	sadd.s32 $0x1, s29  }
0x14b: {  	p0 =	sne.s32 s3, s30  }
.Ltmp1:
0x14c: {  	_ = 	snop;
	(pc) =	sbr.rel @p0 .LBB2_1-.Ltmp1, $3  }
0x14d: {  	_ =	sdelay $0x1  }
0x14e: {  	[sflag:s31] =	ssyncset.done $0x0  }
0x14f: {  	s4 =	smov.u32 s0;
	s20 =	rddreg [dreg:$0x9];
	[sflag:s31] =	ssyncadd.s32 $0xFFFFFB1E  }
0x150: {  	_ =	sfence.sel $0x180000  }
0x151: {  	[bflag:$0x0] =	sbarrier.arrive $0xFFFF  }
0x152: {  	_ =	strace $0x90000047  }
0x153: {  	s0 =	stileid.u32;
	[bflag:$0x2] =	sbarrier.arrive $0xFFFF  }
0x154: {  	p0 =	sne.s32 s0, $0x0;
	s0 =	rddreg [dreg:$0x4]  }
0x155: {  	s0 =	sadd.s32 @!p0 $0x100000, s0  }
0x156: {  	[sflag:s0] =	ssyncadd.tile.s32 @!p0 $0x1;
	_ =	shalt  }
.Lfunc_end2:
_tile_overlayer_lowered:
.L_overlay_start_2:
0x157: {  	(tag) =	ssettag $0x2  }
0x158: {  	s0 =	rddreg [dreg:$0x0];
	s2 =	stileid.u32  }
0x159: {  	s1 =	rddreg [dreg:$0x1];
	p0 =	sne.s32 s2, $0x0  }
0x15a: {  	s3 =	rddreg [dreg:$0x2];
	[bflag:$0x3] =	sbarrier.arrive $0xFFFF;
	s2 =	simm.s32 @!p0 $0x1C0D  }
0x15b: {  	[timem:s3], [sflag:s2] =	dma.local @!p0 [hbm:s0], s1  }
0x15c: {  	s0 =	simm.s32 @!p0 $0xD  }
0x15d: {  	_ =	swait.ge @!p0 [sflag:s0], s1  }
0x15e: {  	s1 =	ssub.s32 @!p0 $0x0, s1;
	[sflag:s0] =	ssyncset.done @!p0 $0x0  }
0x15f: {  	[sflag:s0] =	ssyncadd.s32 @!p0 s1  }
0x160: {  	[bflag:$0x3] =	sbarrier.arrive $0xFFFF  }
0x161: {  	_ =	shalt  }

</sc_bundles>
